<compile_context>
chip_gen: v7x
topology: tpu7x:2x2x1
jax: 0.10.2.dev20260603
libtpu: 0.0.44.dev20260713+nightly
codegen_flags: <defaults>
</compile_context>

<pallas_src>
import functools

import jax
import jax.numpy as jnp
from jax import lax
from jax.experimental import pallas as pl
from jax.experimental.pallas import tpu as pltpu, tpu_sc as plsc

_E = 320000
_D = 128
_W = _D // 2
_R = 237
_C = 128
_NW = 32
_NCHUNK = _E // _C
_ITERS = (_NCHUNK + _NW - 1) // _NW
_TRIPLES = (_ITERS + 2) // 3

_mesh = plsc.VectorSubcoreMesh(core_axis_name="c", subcore_axis_name="s")


@functools.partial(
    pl.kernel,
    out_type=jax.ShapeDtypeStruct((_E,), jnp.float32),
    mesh=_mesh,
    compiler_params=pltpu.CompilerParams(needs_layout_passes=False, use_tc_tiling_on_sc=False),
    scratch_types=[
        pltpu.VMEM((_R, _W), jnp.int32),
        [pltpu.VMEM((_C + 16,), jnp.float32) for _ in range(3)],
        [pltpu.VMEM((_C,), jnp.int32) for _ in range(3)],
        [pltpu.VMEM((_C,), jnp.int32) for _ in range(3)],
        [pltpu.VMEM((_C + 16,), jnp.int32) for _ in range(3)],
        [pltpu.VMEM((_C, _W), jnp.int32) for _ in range(3)],
        [pltpu.VMEM((_C, _W), jnp.int32) for _ in range(3)],
        [pltpu.SemaphoreType.DMA for _ in range(3)],
        [pltpu.SemaphoreType.DMA for _ in range(3)],
        [pltpu.SemaphoreType.DMA for _ in range(3)],
        [pltpu.SemaphoreType.DMA for _ in range(3)],
    ],
)
def _score_kernel(z_hbm, src_hbm, dst_hbm, typ_hbm, rel_hbm, out_hbm,
                  rel_tab, outv, sidx, didx, tidx, srows, drows,
                  isems, ssems, dsems, osems):
    wid = lax.axis_index("s") * 2 + lax.axis_index("c")
    pltpu.sync_copy(rel_hbm, rel_tab)

    def chunk_of(i):
        return wid + _NW * i

    def fire_idx(i, slot):
        c = chunk_of(i)

        @pl.when(c < _NCHUNK)
        def _():
            off = c * _C
            pltpu.async_copy(src_hbm.at[pl.ds(off, _C)], sidx[slot],
                             isems[slot])
            pltpu.async_copy(dst_hbm.at[pl.ds(off, _C)], didx[slot],
                             isems[slot])
            pltpu.async_copy(typ_hbm.at[pl.ds(off, _C)],
                             tidx[slot].at[pl.ds(0, _C)], isems[slot])

    def fire_gathers(i, slot):
        c = chunk_of(i)

        @pl.when(c < _NCHUNK)
        def _():
            off = c * _C
            pltpu.make_async_copy(src_hbm.at[pl.ds(off, _C)], sidx[slot],
                                  isems[slot]).wait()
            pltpu.make_async_copy(dst_hbm.at[pl.ds(off, _C)], didx[slot],
                                  isems[slot]).wait()
            pltpu.make_async_copy(typ_hbm.at[pl.ds(off, _C)],
                                  tidx[slot].at[pl.ds(0, _C)],
                                  isems[slot]).wait()
            pltpu.async_copy(z_hbm.at[sidx[slot]], srows[slot], ssems[slot])
            pltpu.async_copy(z_hbm.at[didx[slot]], drows[slot], dsems[slot])

    def drain_out(i, slot):
        cp = chunk_of(i) - 3 * _NW

        @pl.when((cp >= 0) & (cp < _NCHUNK))
        def _():
            pltpu.make_async_copy(outv[slot].at[pl.ds(0, _C)],
                                  out_hbm.at[pl.ds(cp * _C, _C)],
                                  osems[slot]).wait()

    def compute(i, slot):
        c = chunk_of(i)
        drain_out(i, slot)

        @pl.when(c < _NCHUNK)
        def _():
            pltpu.make_async_copy(z_hbm.at[sidx[slot]], srows[slot],
                                  ssems[slot]).wait()
            pltpu.make_async_copy(z_hbm.at[didx[slot]], drows[slot],
                                  dsems[slot]).wait()
            sr = srows[slot]
            dr = drows[slot]
            tb = tidx[slot]
            lane15 = lax.iota(jnp.int32, 16) == 15

            @plsc.parallel_loop(0, _C, 1, unroll=2)
            def _edge(e):
                t = tb[pl.ds(e, 16)][0]
                acc = None
                for j in range(_W // 16):
                    sx = plsc.bitcast(sr[e, pl.ds(j * 16, 16)], jnp.bfloat16)
                    dx = plsc.bitcast(dr[e, pl.ds(j * 16, 16)], jnp.bfloat16)
                    rx = plsc.bitcast(rel_tab[t, pl.ds(j * 16, 16)],
                                      jnp.bfloat16)
                    prod = sx * dx * rx
                    pa, pb = plsc.unpack(prod,
                                         format=plsc.PackFormat.INTERLEAVED)
                    acc = pa + pb if acc is None else acc + pa + pb
                csum = plsc.cumsum(acc)
                plsc.store_compressed(outv[slot].at[pl.ds(e, 16)], csum,
                                      mask=lane15)
            pltpu.async_copy(outv[slot].at[pl.ds(0, _C)],
                             out_hbm.at[pl.ds(c * _C, _C)], osems[slot])

    fire_idx(0, 0)
    fire_idx(1, 1)
    fire_gathers(0, 0)

    def triple_body(k, carry):
        i = 3 * k
        for p in range(3):
            fire_idx(i + p + 2, (p + 2) % 3)
            fire_gathers(i + p + 1, (p + 1) % 3)
            compute(i + p, p)
        return carry

    lax.fori_loop(0, _TRIPLES, triple_body, 0)

    for q in range(3):
        i = _TRIPLES * 3 + q
        drain_out(i, i % 3)


def _pack_rows(x):
    xb = x.astype(jnp.bfloat16)
    return lax.bitcast_convert_type(
        xb.reshape(x.shape[0], x.shape[1] // 2, 2), jnp.int32)


def _pack_rows(x):
    xb = x.astype(jnp.bfloat16)
    return lax.bitcast_convert_type(
        xb.reshape(x.shape[0], x.shape[1] // 2, 2), jnp.int32)


def kernel(z, edge_index, edge_type, rel_emb):
    src = edge_index[0].astype(jnp.int32)
    dst = edge_index[1].astype(jnp.int32)
    typ = edge_type.astype(jnp.int32)
    return _score_kernel(_pack_rows(z.astype(jnp.float32)), src, dst, typ,
                         _pack_rows(rel_emb.astype(jnp.float32)))

# --- scband reference (transcript-rebuilt; emitter-appended) ---
"""Pipeline reference for scband-rgcndecoder-3616362463540 (READ-ONLY COPY).

The authoritative reference and input builder live on the scoring server;
editing this copy changes nothing except your own understanding.
"""

import jax, jax.numpy as jnp
import numpy as np

N_NODES = 10000
N_EDGES = 320000
D = 128
NUM_RELS = 237


def setup_inputs(seed: int = 0) -> dict:
    key = jax.random.key(seed)
    k1, k2, k3, k4 = jax.random.split(key, 4)
    z = jax.random.normal(k1, (N_NODES, D), dtype=jnp.float32)
    edge_index = jax.random.randint(k2, (2, N_EDGES), 0, N_NODES, dtype=jnp.int64)
    edge_type = jax.random.randint(k3, (N_EDGES,), 0, NUM_RELS, dtype=jnp.int64)
    # xavier_uniform init for rel_emb: bound = sqrt(6/(fan_in+fan_out))
    bound = float(np.sqrt(6.0 / (NUM_RELS + D)))
    rel_emb = jax.random.uniform(k4, (NUM_RELS, D), dtype=jnp.float32, minval=-bound, maxval=bound)
    return {"z": z, "edge_index": edge_index, "edge_type": edge_type, "rel_emb": rel_emb}


def reference(z, edge_index, edge_type, rel_emb):
    # DistMult-style RGCN decoder: score(e) = sum_d z[src]*r[type]*z[dst]
    z_src = jnp.take(z, edge_index[0], axis=0)
    z_dst = jnp.take(z, edge_index[1], axis=0)
    rel = jnp.take(rel_emb, edge_type, axis=0)
    return jnp.sum(z_src * rel * z_dst, axis=1)

if __name__ == "__main__":
    import jax
    _d = setup_inputs()
    print(jax.jit(kernel)(*tuple(_d.values())))

</pallas_src>

<mosaic_0001>
#map = affine_map<(d0, d1) -> (0, 0)>
#map1 = affine_map<(d0, d1) -> (0)>
module attributes {stable_mosaic.version = 14 : i64} {
  func.func @_score_kernel(%arg0: i32, %arg1: i32, %arg2: memref<10000x64xi32, #tpu.memory_space<hbm>>, %arg3: memref<320000xi32, #tpu.memory_space<hbm>>, %arg4: memref<320000xi32, #tpu.memory_space<hbm>>, %arg5: memref<320000xi32, #tpu.memory_space<hbm>>, %arg6: memref<237x64xi32, #tpu.memory_space<hbm>>, %arg7: memref<320000xf32, #tpu.memory_space<hbm>>, %arg8: memref<237x64xi32, #tpu.memory_space<vmem>>, %arg9: memref<144xf32, #tpu.memory_space<vmem>>, %arg10: memref<144xf32, #tpu.memory_space<vmem>>, %arg11: memref<144xf32, #tpu.memory_space<vmem>>, %arg12: memref<128xi32, #tpu.memory_space<vmem>>, %arg13: memref<128xi32, #tpu.memory_space<vmem>>, %arg14: memref<128xi32, #tpu.memory_space<vmem>>, %arg15: memref<128xi32, #tpu.memory_space<vmem>>, %arg16: memref<128xi32, #tpu.memory_space<vmem>>, %arg17: memref<128xi32, #tpu.memory_space<vmem>>, %arg18: memref<144xi32, #tpu.memory_space<vmem>>, %arg19: memref<144xi32, #tpu.memory_space<vmem>>, %arg20: memref<144xi32, #tpu.memory_space<vmem>>, %arg21: memref<128x64xi32, #tpu.memory_space<vmem>>, %arg22: memref<128x64xi32, #tpu.memory_space<vmem>>, %arg23: memref<128x64xi32, #tpu.memory_space<vmem>>, %arg24: memref<128x64xi32, #tpu.memory_space<vmem>>, %arg25: memref<128x64xi32, #tpu.memory_space<vmem>>, %arg26: memref<128x64xi32, #tpu.memory_space<vmem>>, %arg27: memref<!tpu.dma_semaphore, #tpu.memory_space<semaphore_mem>>, %arg28: memref<!tpu.dma_semaphore, #tpu.memory_space<semaphore_mem>>, %arg29: memref<!tpu.dma_semaphore, #tpu.memory_space<semaphore_mem>>, %arg30: memref<!tpu.dma_semaphore, #tpu.memory_space<semaphore_mem>>, %arg31: memref<!tpu.dma_semaphore, #tpu.memory_space<semaphore_mem>>, %arg32: memref<!tpu.dma_semaphore, #tpu.memory_space<semaphore_mem>>, %arg33: memref<!tpu.dma_semaphore, #tpu.memory_space<semaphore_mem>>, %arg34: memref<!tpu.dma_semaphore, #tpu.memory_space<semaphore_mem>>, %arg35: memref<!tpu.dma_semaphore, #tpu.memory_space<semaphore_mem>>, %arg36: memref<!tpu.dma_semaphore, #tpu.memory_space<semaphore_mem>>, %arg37: memref<!tpu.dma_semaphore, #tpu.memory_space<semaphore_mem>>, %arg38: memref<!tpu.dma_semaphore, #tpu.memory_space<semaphore_mem>>) attributes {dimension_semantics = [#tpu.dimension_semantics<core_parallel>, #tpu.dimension_semantics<subcore_parallel>], iteration_bounds = array<i64: 2, 16>, scalar_prefetch = 0 : i64, scratch_operands = 31 : i64, tpu.core_type = #tpu.core_type<sc_vector_subcore>, window_params = [{transform_indices = #map}, {transform_indices = #map1}, {transform_indices = #map1}, {transform_indices = #map1}, {transform_indices = #map}, {transform_indices = #map1}]} {
    %mul3A = arith.constant 2 : i32
    %mul3A_0 = arith.muli %arg1, %mul3A : i32
    %add3A = arith.addi %mul3A_0, %arg0 : i32
    "tpu.region"() ({
      %run_scoped3A = tpu.sem_alloc : memref<!tpu.dma_semaphore, #tpu.memory_space<semaphore_mem>>
      tpu.enqueue_dma source(%arg6 : memref<237x64xi32, #tpu.memory_space<hbm>>) target(%arg8 : memref<237x64xi32, #tpu.memory_space<vmem>>) target_semaphore(%run_scoped3A : memref<!tpu.dma_semaphore, #tpu.memory_space<semaphore_mem>>)
      tpu.wait_dma2 semaphore(%run_scoped3A : memref<!tpu.dma_semaphore, #tpu.memory_space<semaphore_mem>>) src(%arg6 : memref<237x64xi32, #tpu.memory_space<hbm>>) dst(%arg8 : memref<237x64xi32, #tpu.memory_space<vmem>>)
      tpu.yield
    }) : () -> ()
    %add3A_1 = arith.constant 0 : i32
    %add3A_2 = arith.addi %add3A, %add3A_1 : i32
    %lt3A = arith.constant 2500 : i32
    %lt3A_3 = arith.cmpi slt, %add3A_2, %lt3A : i32
    %convert_element_type3A = arith.extui %lt3A_3 : i1 to i32
    %cond3A = arith.constant 0 : i32
    %cond3A_4 = arith.cmpi ne, %convert_element_type3A, %cond3A : i32
    scf.if %cond3A_4 {
      %mul3A_57 = arith.constant 128 : i32
      %mul3A_58 = arith.muli %add3A_2, %mul3A_57 : i32
      %dma_start3A = tpu.memref_slice %arg3[%mul3A_58] : memref<320000xi32, #tpu.memory_space<hbm>> -> memref<128xi32, #tpu.memory_space<hbm>>
      %dma_start3A_59 = tpu.memref_slice %arg3[%mul3A_58] : memref<320000xi32, #tpu.memory_space<hbm>> -> memref<128xi32, #tpu.memory_space<hbm>>
      tpu.enqueue_dma source(%dma_start3A_59 : memref<128xi32, #tpu.memory_space<hbm>>) target(%arg12 : memref<128xi32, #tpu.memory_space<vmem>>) target_semaphore(%arg27 : memref<!tpu.dma_semaphore, #tpu.memory_space<semaphore_mem>>)
      %dma_start3A_60 = tpu.memref_slice %arg4[%mul3A_58] : memref<320000xi32, #tpu.memory_space<hbm>> -> memref<128xi32, #tpu.memory_space<hbm>>
      %dma_start3A_61 = tpu.memref_slice %arg4[%mul3A_58] : memref<320000xi32, #tpu.memory_space<hbm>> -> memref<128xi32, #tpu.memory_space<hbm>>
      tpu.enqueue_dma source(%dma_start3A_61 : memref<128xi32, #tpu.memory_space<hbm>>) target(%arg15 : memref<128xi32, #tpu.memory_space<vmem>>) target_semaphore(%arg27 : memref<!tpu.dma_semaphore, #tpu.memory_space<semaphore_mem>>)
      %dma_start3A_62 = arith.constant 0 : i32
      %dma_start3A_63 = tpu.memref_slice %arg18[%dma_start3A_62] : memref<144xi32, #tpu.memory_space<vmem>> -> memref<128xi32, #tpu.memory_space<vmem>>
      %dma_start3A_64 = tpu.memref_slice %arg5[%mul3A_58] : memref<320000xi32, #tpu.memory_space<hbm>> -> memref<128xi32, #tpu.memory_space<hbm>>
      %dma_start3A_65 = arith.constant 0 : i32
      %dma_start3A_66 = tpu.memref_slice %arg18[%dma_start3A_65] : memref<144xi32, #tpu.memory_space<vmem>> -> memref<128xi32, #tpu.memory_space<vmem>>
      %dma_start3A_67 = tpu.memref_slice %arg5[%mul3A_58] : memref<320000xi32, #tpu.memory_space<hbm>> -> memref<128xi32, #tpu.memory_space<hbm>>
      tpu.enqueue_dma source(%dma_start3A_67 : memref<128xi32, #tpu.memory_space<hbm>>) target(%dma_start3A_66 : memref<128xi32, #tpu.memory_space<vmem>>) target_semaphore(%arg27 : memref<!tpu.dma_semaphore, #tpu.memory_space<semaphore_mem>>)
    } else {
    }
    %add3A_5 = arith.constant 32 : i32
    %add3A_6 = arith.addi %add3A, %add3A_5 : i32
    %lt3A_7 = arith.constant 2500 : i32
    %lt3A_8 = arith.cmpi slt, %add3A_6, %lt3A_7 : i32
    %convert_element_type3A_9 = arith.extui %lt3A_8 : i1 to i32
    %cond3A_10 = arith.constant 0 : i32
    %cond3A_11 = arith.cmpi ne, %convert_element_type3A_9, %cond3A_10 : i32
    scf.if %cond3A_11 {
      %mul3A_57 = arith.constant 128 : i32
      %mul3A_58 = arith.muli %add3A_6, %mul3A_57 : i32
      %dma_start3A = tpu.memref_slice %arg3[%mul3A_58] : memref<320000xi32, #tpu.memory_space<hbm>> -> memref<128xi32, #tpu.memory_space<hbm>>
      %dma_start3A_59 = tpu.memref_slice %arg3[%mul3A_58] : memref<320000xi32, #tpu.memory_space<hbm>> -> memref<128xi32, #tpu.memory_space<hbm>>
      tpu.enqueue_dma source(%dma_start3A_59 : memref<128xi32, #tpu.memory_space<hbm>>) target(%arg13 : memref<128xi32, #tpu.memory_space<vmem>>) target_semaphore(%arg28 : memref<!tpu.dma_semaphore, #tpu.memory_space<semaphore_mem>>)
      %dma_start3A_60 = tpu.memref_slice %arg4[%mul3A_58] : memref<320000xi32, #tpu.memory_space<hbm>> -> memref<128xi32, #tpu.memory_space<hbm>>
      %dma_start3A_61 = tpu.memref_slice %arg4[%mul3A_58] : memref<320000xi32, #tpu.memory_space<hbm>> -> memref<128xi32, #tpu.memory_space<hbm>>
      tpu.enqueue_dma source(%dma_start3A_61 : memref<128xi32, #tpu.memory_space<hbm>>) target(%arg16 : memref<128xi32, #tpu.memory_space<vmem>>) target_semaphore(%arg28 : memref<!tpu.dma_semaphore, #tpu.memory_space<semaphore_mem>>)
      %dma_start3A_62 = arith.constant 0 : i32
      %dma_start3A_63 = tpu.memref_slice %arg19[%dma_start3A_62] : memref<144xi32, #tpu.memory_space<vmem>> -> memref<128xi32, #tpu.memory_space<vmem>>
      %dma_start3A_64 = tpu.memref_slice %arg5[%mul3A_58] : memref<320000xi32, #tpu.memory_space<hbm>> -> memref<128xi32, #tpu.memory_space<hbm>>
      %dma_start3A_65 = arith.constant 0 : i32
      %dma_start3A_66 = tpu.memref_slice %arg19[%dma_start3A_65] : memref<144xi32, #tpu.memory_space<vmem>> -> memref<128xi32, #tpu.memory_space<vmem>>
      %dma_start3A_67 = tpu.memref_slice %arg5[%mul3A_58] : memref<320000xi32, #tpu.memory_space<hbm>> -> memref<128xi32, #tpu.memory_space<hbm>>
      tpu.enqueue_dma source(%dma_start3A_67 : memref<128xi32, #tpu.memory_space<hbm>>) target(%dma_start3A_66 : memref<128xi32, #tpu.memory_space<vmem>>) target_semaphore(%arg28 : memref<!tpu.dma_semaphore, #tpu.memory_space<semaphore_mem>>)
    } else {
    }
    %add3A_12 = arith.constant 0 : i32
    %add3A_13 = arith.addi %add3A, %add3A_12 : i32
    %lt3A_14 = arith.constant 2500 : i32
    %lt3A_15 = arith.cmpi slt, %add3A_13, %lt3A_14 : i32
    %convert_element_type3A_16 = arith.extui %lt3A_15 : i1 to i32
    %cond3A_17 = arith.constant 0 : i32
    %cond3A_18 = arith.cmpi ne, %convert_element_type3A_16, %cond3A_17 : i32
    scf.if %cond3A_18 {
      %mul3A_57 = arith.constant 128 : i32
      %mul3A_58 = arith.muli %add3A_13, %mul3A_57 : i32
      %dma_wait3A = tpu.memref_slice %arg3[%mul3A_58] : memref<320000xi32, #tpu.memory_space<hbm>> -> memref<128xi32, #tpu.memory_space<hbm>>
      %dma_wait3A_59 = tpu.memref_slice %arg3[%mul3A_58] : memref<320000xi32, #tpu.memory_space<hbm>> -> memref<128xi32, #tpu.memory_space<hbm>>
      tpu.wait_dma2 semaphore(%arg27 : memref<!tpu.dma_semaphore, #tpu.memory_space<semaphore_mem>>) src(%dma_wait3A_59 : memref<128xi32, #tpu.memory_space<hbm>>) dst(%arg12 : memref<128xi32, #tpu.memory_space<vmem>>)
      %dma_wait3A_60 = tpu.memref_slice %arg4[%mul3A_58] : memref<320000xi32, #tpu.memory_space<hbm>> -> memref<128xi32, #tpu.memory_space<hbm>>
      %dma_wait3A_61 = tpu.memref_slice %arg4[%mul3A_58] : memref<320000xi32, #tpu.memory_space<hbm>> -> memref<128xi32, #tpu.memory_space<hbm>>
      tpu.wait_dma2 semaphore(%arg27 : memref<!tpu.dma_semaphore, #tpu.memory_space<semaphore_mem>>) src(%dma_wait3A_61 : memref<128xi32, #tpu.memory_space<hbm>>) dst(%arg15 : memref<128xi32, #tpu.memory_space<vmem>>)
      %dma_wait3A_62 = arith.constant 0 : i32
      %dma_wait3A_63 = tpu.memref_slice %arg18[%dma_wait3A_62] : memref<144xi32, #tpu.memory_space<vmem>> -> memref<128xi32, #tpu.memory_space<vmem>>
      %dma_wait3A_64 = tpu.memref_slice %arg5[%mul3A_58] : memref<320000xi32, #tpu.memory_space<hbm>> -> memref<128xi32, #tpu.memory_space<hbm>>
      %dma_wait3A_65 = arith.constant 0 : i32
      %dma_wait3A_66 = tpu.memref_slice %arg18[%dma_wait3A_65] : memref<144xi32, #tpu.memory_space<vmem>> -> memref<128xi32, #tpu.memory_space<vmem>>
      %dma_wait3A_67 = tpu.memref_slice %arg5[%mul3A_58] : memref<320000xi32, #tpu.memory_space<hbm>> -> memref<128xi32, #tpu.memory_space<hbm>>
      tpu.wait_dma2 semaphore(%arg27 : memref<!tpu.dma_semaphore, #tpu.memory_space<semaphore_mem>>) src(%dma_wait3A_67 : memref<128xi32, #tpu.memory_space<hbm>>) dst(%dma_wait3A_66 : memref<128xi32, #tpu.memory_space<vmem>>)
      %dma_start3A = arith.constant 0 : i32
      %dma_start3A_68 = arith.constant 0 : i32
      %dma_start3A_69 = tpu.memref_slice %arg2[%dma_start3A, %dma_start3A_68] : memref<10000x64xi32, #tpu.memory_space<hbm>> -> memref<10000x64xi32, #tpu.memory_space<hbm>>
      tpu.enqueue_indirect_dma source(%dma_start3A_69 : memref<10000x64xi32, #tpu.memory_space<hbm>>) target(%arg21 : memref<128x64xi32, #tpu.memory_space<vmem>>) offsets(%arg12 : memref<128xi32, #tpu.memory_space<vmem>>) semaphore(%arg30 : memref<!tpu.dma_semaphore, #tpu.memory_space<semaphore_mem>>)
      %dma_start3A_70 = arith.constant 0 : i32
      %dma_start3A_71 = arith.constant 0 : i32
      %dma_start3A_72 = tpu.memref_slice %arg2[%dma_start3A_70, %dma_start3A_71] : memref<10000x64xi32, #tpu.memory_space<hbm>> -> memref<10000x64xi32, #tpu.memory_space<hbm>>
      tpu.enqueue_indirect_dma source(%dma_start3A_72 : memref<10000x64xi32, #tpu.memory_space<hbm>>) target(%arg24 : memref<128x64xi32, #tpu.memory_space<vmem>>) offsets(%arg15 : memref<128xi32, #tpu.memory_space<vmem>>) semaphore(%arg33 : memref<!tpu.dma_semaphore, #tpu.memory_space<semaphore_mem>>)
    } else {
    }
    %scan3A = arith.constant 0 : i32
    %scan3A_19 = arith.constant 0 : i32
    %scan3A_20 = arith.constant 27 : i32
    %scan3A_21 = arith.addi %scan3A_19, %scan3A_20 : i32
    %scan3A_22 = arith.constant 1 : i32
    scf.for %scan3A_57 = %scan3A_19 to %scan3A_21 step %scan3A_22  : i32 {
      %mul3A_58 = arith.constant 3 : i32
      %mul3A_59 = arith.muli %mul3A_58, %scan3A_57 : i32
      %add3A_60 = arith.constant 0 : i32
      %add3A_61 = arith.addi %mul3A_59, %add3A_60 : i32
      %add3A_62 = arith.constant 2 : i32
      %add3A_63 = arith.addi %add3A_61, %add3A_62 : i32
      %mul3A_64 = arith.constant 32 : i32
      %mul3A_65 = arith.muli %mul3A_64, %add3A_63 : i32
      %add3A_66 = arith.addi %add3A, %mul3A_65 : i32
      %lt3A_67 = arith.constant 2500 : i32
      %lt3A_68 = arith.cmpi slt, %add3A_66, %lt3A_67 : i32
      %convert_element_type3A_69 = arith.extui %lt3A_68 : i1 to i32
      %cond3A_70 = arith.constant 0 : i32
      %cond3A_71 = arith.cmpi ne, %convert_element_type3A_69, %cond3A_70 : i32
      scf.if %cond3A_71 {
        %mul3A_201 = arith.constant 128 : i32
        %mul3A_202 = arith.muli %add3A_66, %mul3A_201 : i32
        %dma_start3A = tpu.memref_slice %arg3[%mul3A_202] : memref<320000xi32, #tpu.memory_space<hbm>> -> memref<128xi32, #tpu.memory_space<hbm>>
        %dma_start3A_203 = tpu.memref_slice %arg3[%mul3A_202] : memref<320000xi32, #tpu.memory_space<hbm>> -> memref<128xi32, #tpu.memory_space<hbm>>
        tpu.enqueue_dma source(%dma_start3A_203 : memref<128xi32, #tpu.memory_space<hbm>>) target(%arg14 : memref<128xi32, #tpu.memory_space<vmem>>) target_semaphore(%arg29 : memref<!tpu.dma_semaphore, #tpu.memory_space<semaphore_mem>>)
        %dma_start3A_204 = tpu.memref_slice %arg4[%mul3A_202] : memref<320000xi32, #tpu.memory_space<hbm>> -> memref<128xi32, #tpu.memory_space<hbm>>
        %dma_start3A_205 = tpu.memref_slice %arg4[%mul3A_202] : memref<320000xi32, #tpu.memory_space<hbm>> -> memref<128xi32, #tpu.memory_space<hbm>>
        tpu.enqueue_dma source(%dma_start3A_205 : memref<128xi32, #tpu.memory_space<hbm>>) target(%arg17 : memref<128xi32, #tpu.memory_space<vmem>>) target_semaphore(%arg29 : memref<!tpu.dma_semaphore, #tpu.memory_space<semaphore_mem>>)
        %dma_start3A_206 = arith.constant 0 : i32
        %dma_start3A_207 = tpu.memref_slice %arg20[%dma_start3A_206] : memref<144xi32, #tpu.memory_space<vmem>> -> memref<128xi32, #tpu.memory_space<vmem>>
        %dma_start3A_208 = tpu.memref_slice %arg5[%mul3A_202] : memref<320000xi32, #tpu.memory_space<hbm>> -> memref<128xi32, #tpu.memory_space<hbm>>
        %dma_start3A_209 = arith.constant 0 : i32
        %dma_start3A_210 = tpu.memref_slice %arg20[%dma_start3A_209] : memref<144xi32, #tpu.memory_space<vmem>> -> memref<128xi32, #tpu.memory_space<vmem>>
        %dma_start3A_211 = tpu.memref_slice %arg5[%mul3A_202] : memref<320000xi32, #tpu.memory_space<hbm>> -> memref<128xi32, #tpu.memory_space<hbm>>
        tpu.enqueue_dma source(%dma_start3A_211 : memref<128xi32, #tpu.memory_space<hbm>>) target(%dma_start3A_210 : memref<128xi32, #tpu.memory_space<vmem>>) target_semaphore(%arg29 : memref<!tpu.dma_semaphore, #tpu.memory_space<semaphore_mem>>)
      } else {
      }
      %add3A_72 = arith.constant 0 : i32
      %add3A_73 = arith.addi %mul3A_59, %add3A_72 : i32
      %add3A_74 = arith.constant 1 : i32
      %add3A_75 = arith.addi %add3A_73, %add3A_74 : i32
      %mul3A_76 = arith.constant 32 : i32
      %mul3A_77 = arith.muli %mul3A_76, %add3A_75 : i32
      %add3A_78 = arith.addi %add3A, %mul3A_77 : i32
      %lt3A_79 = arith.constant 2500 : i32
      %lt3A_80 = arith.cmpi slt, %add3A_78, %lt3A_79 : i32
      %convert_element_type3A_81 = arith.extui %lt3A_80 : i1 to i32
      %cond3A_82 = arith.constant 0 : i32
      %cond3A_83 = arith.cmpi ne, %convert_element_type3A_81, %cond3A_82 : i32
      scf.if %cond3A_83 {
        %mul3A_201 = arith.constant 128 : i32
        %mul3A_202 = arith.muli %add3A_78, %mul3A_201 : i32
        %dma_wait3A = tpu.memref_slice %arg3[%mul3A_202] : memref<320000xi32, #tpu.memory_space<hbm>> -> memref<128xi32, #tpu.memory_space<hbm>>
        %dma_wait3A_203 = tpu.memref_slice %arg3[%mul3A_202] : memref<320000xi32, #tpu.memory_space<hbm>> -> memref<128xi32, #tpu.memory_space<hbm>>
        tpu.wait_dma2 semaphore(%arg28 : memref<!tpu.dma_semaphore, #tpu.memory_space<semaphore_mem>>) src(%dma_wait3A_203 : memref<128xi32, #tpu.memory_space<hbm>>) dst(%arg13 : memref<128xi32, #tpu.memory_space<vmem>>)
        %dma_wait3A_204 = tpu.memref_slice %arg4[%mul3A_202] : memref<320000xi32, #tpu.memory_space<hbm>> -> memref<128xi32, #tpu.memory_space<hbm>>
        %dma_wait3A_205 = tpu.memref_slice %arg4[%mul3A_202] : memref<320000xi32, #tpu.memory_space<hbm>> -> memref<128xi32, #tpu.memory_space<hbm>>
        tpu.wait_dma2 semaphore(%arg28 : memref<!tpu.dma_semaphore, #tpu.memory_space<semaphore_mem>>) src(%dma_wait3A_205 : memref<128xi32, #tpu.memory_space<hbm>>) dst(%arg16 : memref<128xi32, #tpu.memory_space<vmem>>)
        %dma_wait3A_206 = arith.constant 0 : i32
        %dma_wait3A_207 = tpu.memref_slice %arg19[%dma_wait3A_206] : memref<144xi32, #tpu.memory_space<vmem>> -> memref<128xi32, #tpu.memory_space<vmem>>
        %dma_wait3A_208 = tpu.memref_slice %arg5[%mul3A_202] : memref<320000xi32, #tpu.memory_space<hbm>> -> memref<128xi32, #tpu.memory_space<hbm>>
        %dma_wait3A_209 = arith.constant 0 : i32
        %dma_wait3A_210 = tpu.memref_slice %arg19[%dma_wait3A_209] : memref<144xi32, #tpu.memory_space<vmem>> -> memref<128xi32, #tpu.memory_space<vmem>>
        %dma_wait3A_211 = tpu.memref_slice %arg5[%mul3A_202] : memref<320000xi32, #tpu.memory_space<hbm>> -> memref<128xi32, #tpu.memory_space<hbm>>
        tpu.wait_dma2 semaphore(%arg28 : memref<!tpu.dma_semaphore, #tpu.memory_space<semaphore_mem>>) src(%dma_wait3A_211 : memref<128xi32, #tpu.memory_space<hbm>>) dst(%dma_wait3A_210 : memref<128xi32, #tpu.memory_space<vmem>>)
        %dma_start3A = arith.constant 0 : i32
        %dma_start3A_212 = arith.constant 0 : i32
        %dma_start3A_213 = tpu.memref_slice %arg2[%dma_start3A, %dma_start3A_212] : memref<10000x64xi32, #tpu.memory_space<hbm>> -> memref<10000x64xi32, #tpu.memory_space<hbm>>
        tpu.enqueue_indirect_dma source(%dma_start3A_213 : memref<10000x64xi32, #tpu.memory_space<hbm>>) target(%arg22 : memref<128x64xi32, #tpu.memory_space<vmem>>) offsets(%arg13 : memref<128xi32, #tpu.memory_space<vmem>>) semaphore(%arg31 : memref<!tpu.dma_semaphore, #tpu.memory_space<semaphore_mem>>)
        %dma_start3A_214 = arith.constant 0 : i32
        %dma_start3A_215 = arith.constant 0 : i32
        %dma_start3A_216 = tpu.memref_slice %arg2[%dma_start3A_214, %dma_start3A_215] : memref<10000x64xi32, #tpu.memory_space<hbm>> -> memref<10000x64xi32, #tpu.memory_space<hbm>>
        tpu.enqueue_indirect_dma source(%dma_start3A_216 : memref<10000x64xi32, #tpu.memory_space<hbm>>) target(%arg25 : memref<128x64xi32, #tpu.memory_space<vmem>>) offsets(%arg16 : memref<128xi32, #tpu.memory_space<vmem>>) semaphore(%arg34 : memref<!tpu.dma_semaphore, #tpu.memory_space<semaphore_mem>>)
      } else {
      }
      %add3A_84 = arith.constant 0 : i32
      %add3A_85 = arith.addi %mul3A_59, %add3A_84 : i32
      %mul3A_86 = arith.constant 32 : i32
      %mul3A_87 = arith.muli %mul3A_86, %add3A_85 : i32
      %add3A_88 = arith.addi %add3A, %mul3A_87 : i32
      %mul3A_89 = arith.constant 32 : i32
      %mul3A_90 = arith.muli %mul3A_89, %add3A_85 : i32
      %add3A_91 = arith.addi %add3A, %mul3A_90 : i32
      %sub3A_92 = arith.constant 96 : i32
      %sub3A_93 = arith.subi %add3A_91, %sub3A_92 : i32
      %ge3A_94 = arith.constant 0 : i32
      %ge3A_95 = arith.cmpi sge, %sub3A_93, %ge3A_94 : i32
      %lt3A_96 = arith.constant 2500 : i32
      %lt3A_97 = arith.cmpi slt, %sub3A_93, %lt3A_96 : i32
      %and3A_98 = arith.andi %ge3A_95, %lt3A_97 : i1
      %convert_element_type3A_99 = arith.extui %and3A_98 : i1 to i32
      %cond3A_100 = arith.constant 0 : i32
      %cond3A_101 = arith.cmpi ne, %convert_element_type3A_99, %cond3A_100 : i32
      scf.if %cond3A_101 {
        %mul3A_201 = arith.constant 128 : i32
        %mul3A_202 = arith.muli %sub3A_93, %mul3A_201 : i32
        %dma_wait3A = arith.constant 0 : i32
        %dma_wait3A_203 = tpu.memref_slice %arg9[%dma_wait3A] : memref<144xf32, #tpu.memory_space<vmem>> -> memref<128xf32, #tpu.memory_space<vmem>>
        %dma_wait3A_204 = tpu.memref_slice %arg7[%mul3A_202] : memref<320000xf32, #tpu.memory_space<hbm>> -> memref<128xf32, #tpu.memory_space<hbm>>
        %dma_wait3A_205 = tpu.memref_slice %arg7[%mul3A_202] : memref<320000xf32, #tpu.memory_space<hbm>> -> memref<128xf32, #tpu.memory_space<hbm>>
        %dma_wait3A_206 = arith.constant 0 : i32
        %dma_wait3A_207 = tpu.memref_slice %arg9[%dma_wait3A_206] : memref<144xf32, #tpu.memory_space<vmem>> -> memref<128xf32, #tpu.memory_space<vmem>>
        tpu.wait_dma2 semaphore(%arg36 : memref<!tpu.dma_semaphore, #tpu.memory_space<semaphore_mem>>) src(%dma_wait3A_207 : memref<128xf32, #tpu.memory_space<vmem>>) dst(%dma_wait3A_205 : memref<128xf32, #tpu.memory_space<hbm>>)
      } else {
      }
      %lt3A_102 = arith.constant 2500 : i32
      %lt3A_103 = arith.cmpi slt, %add3A_88, %lt3A_102 : i32
      %convert_element_type3A_104 = arith.extui %lt3A_103 : i1 to i32
      %cond3A_105 = arith.constant 0 : i32
      %cond3A_106 = arith.cmpi ne, %convert_element_type3A_104, %cond3A_105 : i32
      scf.if %cond3A_106 {
        %dma_wait3A = arith.constant 0 : i32
        %dma_wait3A_201 = arith.constant 0 : i32
        %dma_wait3A_202 = tpu.memref_slice %arg2[%dma_wait3A, %dma_wait3A_201] : memref<10000x64xi32, #tpu.memory_space<hbm>> -> memref<10000x64xi32, #tpu.memory_space<hbm>>
        tpu.wait_indirect_dma semaphore(%arg30 : memref<!tpu.dma_semaphore, #tpu.memory_space<semaphore_mem>>) src(%dma_wait3A_202 : memref<10000x64xi32, #tpu.memory_space<hbm>>) dst(%arg21 : memref<128x64xi32, #tpu.memory_space<vmem>>)
        %dma_wait3A_203 = arith.constant 0 : i32
        %dma_wait3A_204 = arith.constant 0 : i32
        %dma_wait3A_205 = tpu.memref_slice %arg2[%dma_wait3A_203, %dma_wait3A_204] : memref<10000x64xi32, #tpu.memory_space<hbm>> -> memref<10000x64xi32, #tpu.memory_space<hbm>>
        tpu.wait_indirect_dma semaphore(%arg33 : memref<!tpu.dma_semaphore, #tpu.memory_space<semaphore_mem>>) src(%dma_wait3A_205 : memref<10000x64xi32, #tpu.memory_space<hbm>>) dst(%arg24 : memref<128x64xi32, #tpu.memory_space<vmem>>)
        %iota3A = tpu.iota {dimensions = array<i32: 0>} : vector<16xi32>
        %eq3A = arith.constant 15 : i32
        %eq3A_206 = vector.broadcast %eq3A : i32 to vector<16xi32>
        %eq3A_207 = arith.cmpi eq, %iota3A, %eq3A_206 : vector<16xi32>
        %parallel_loop3A = arith.constant 0 : i32
        %parallel_loop3A_208 = arith.constant 128 : i32
        %parallel_loop3A_209 = arith.constant 1 : i32
        scf.for %parallel_loop3A_217 = %parallel_loop3A to %parallel_loop3A_208 step %parallel_loop3A_209  : i32 {
          %parallel_loop3A_218 = arith.index_cast %parallel_loop3A_217 : i32 to index
          %parallel_loop3A_219 = tpu.vector_load %arg18[%parallel_loop3A_218] {strides = array<i32>} : memref<144xi32, #tpu.memory_space<vmem>>, vector<16xi32>,
          %parallel_loop3A_220 = vector.extract_strided_slice %parallel_loop3A_219 {offsets = [0], sizes = [1], strides = [1]} : vector<16xi32> to vector<1xi32>
          %parallel_loop3A_221 = vector.extract %parallel_loop3A_220[0] : i32 from vector<1xi32>
          %parallel_loop3A_222 = arith.index_cast %parallel_loop3A_217 : i32 to index
          %parallel_loop3A_223 = arith.constant 0 : index
          %parallel_loop3A_224 = tpu.vector_load %arg21[%parallel_loop3A_222, %parallel_loop3A_223] {strides = array<i32>} : memref<128x64xi32, #tpu.memory_space<vmem>>, vector<16xi32>,
          %parallel_loop3A_225 = vector.bitcast %parallel_loop3A_224 : vector<16xi32> to vector<32xbf16>
          %parallel_loop3A_226 = arith.index_cast %parallel_loop3A_217 : i32 to index
          %parallel_loop3A_227 = arith.constant 0 : index
          %parallel_loop3A_228 = tpu.vector_load %arg24[%parallel_loop3A_226, %parallel_loop3A_227] {strides = array<i32>} : memref<128x64xi32, #tpu.memory_space<vmem>>, vector<16xi32>,
          %parallel_loop3A_229 = vector.bitcast %parallel_loop3A_228 : vector<16xi32> to vector<32xbf16>
          %parallel_loop3A_230 = arith.index_cast %parallel_loop3A_221 : i32 to index
          %parallel_loop3A_231 = arith.constant 0 : index
          %parallel_loop3A_232 = tpu.vector_load %arg8[%parallel_loop3A_230, %parallel_loop3A_231] {strides = array<i32>} : memref<237x64xi32, #tpu.memory_space<vmem>>, vector<16xi32>,
          %parallel_loop3A_233 = vector.bitcast %parallel_loop3A_232 : vector<16xi32> to vector<32xbf16>
          %parallel_loop3A_234 = arith.mulf %parallel_loop3A_225, %parallel_loop3A_229 : vector<32xbf16>
          %parallel_loop3A_235 = arith.mulf %parallel_loop3A_234, %parallel_loop3A_233 : vector<32xbf16>
          %parallel_loop3A_236 = tpu.unpack_subelements %parallel_loop3A_235, 0 {pack_format = #tpu.pack_format<interleaved>} : vector<32xbf16> -> vector<16xf32>
          %parallel_loop3A_237 = tpu.unpack_subelements %parallel_loop3A_235, 1 {pack_format = #tpu.pack_format<interleaved>} : vector<32xbf16> -> vector<16xf32>
          %parallel_loop3A_238 = arith.addf %parallel_loop3A_236, %parallel_loop3A_237 : vector<16xf32>
          %parallel_loop3A_239 = arith.index_cast %parallel_loop3A_217 : i32 to index
          %parallel_loop3A_240 = arith.constant 16 : index
          %parallel_loop3A_241 = tpu.vector_load %arg21[%parallel_loop3A_239, %parallel_loop3A_240] {strides = array<i32>} : memref<128x64xi32, #tpu.memory_space<vmem>>, vector<16xi32>,
          %parallel_loop3A_242 = vector.bitcast %parallel_loop3A_241 : vector<16xi32> to vector<32xbf16>
          %parallel_loop3A_243 = arith.index_cast %parallel_loop3A_217 : i32 to index
          %parallel_loop3A_244 = arith.constant 16 : index
          %parallel_loop3A_245 = tpu.vector_load %arg24[%parallel_loop3A_243, %parallel_loop3A_244] {strides = array<i32>} : memref<128x64xi32, #tpu.memory_space<vmem>>, vector<16xi32>,
          %parallel_loop3A_246 = vector.bitcast %parallel_loop3A_245 : vector<16xi32> to vector<32xbf16>
          %parallel_loop3A_247 = arith.index_cast %parallel_loop3A_221 : i32 to index
          %parallel_loop3A_248 = arith.constant 16 : index
          %parallel_loop3A_249 = tpu.vector_load %arg8[%parallel_loop3A_247, %parallel_loop3A_248] {strides = array<i32>} : memref<237x64xi32, #tpu.memory_space<vmem>>, vector<16xi32>,
          %parallel_loop3A_250 = vector.bitcast %parallel_loop3A_249 : vector<16xi32> to vector<32xbf16>
          %parallel_loop3A_251 = arith.mulf %parallel_loop3A_242, %parallel_loop3A_246 : vector<32xbf16>
          %parallel_loop3A_252 = arith.mulf %parallel_loop3A_251, %parallel_loop3A_250 : vector<32xbf16>
          %parallel_loop3A_253 = tpu.unpack_subelements %parallel_loop3A_252, 0 {pack_format = #tpu.pack_format<interleaved>} : vector<32xbf16> -> vector<16xf32>
          %parallel_loop3A_254 = tpu.unpack_subelements %parallel_loop3A_252, 1 {pack_format = #tpu.pack_format<interleaved>} : vector<32xbf16> -> vector<16xf32>
          %parallel_loop3A_255 = arith.addf %parallel_loop3A_238, %parallel_loop3A_253 : vector<16xf32>
          %parallel_loop3A_256 = arith.addf %parallel_loop3A_255, %parallel_loop3A_254 : vector<16xf32>
          %parallel_loop3A_257 = arith.index_cast %parallel_loop3A_217 : i32 to index
          %parallel_loop3A_258 = arith.constant 32 : index
          %parallel_loop3A_259 = tpu.vector_load %arg21[%parallel_loop3A_257, %parallel_loop3A_258] {strides = array<i32>} : memref<128x64xi32, #tpu.memory_space<vmem>>, vector<16xi32>,
          %parallel_loop3A_260 = vector.bitcast %parallel_loop3A_259 : vector<16xi32> to vector<32xbf16>
          %parallel_loop3A_261 = arith.index_cast %parallel_loop3A_217 : i32 to index
          %parallel_loop3A_262 = arith.constant 32 : index
          %parallel_loop3A_263 = tpu.vector_load %arg24[%parallel_loop3A_261, %parallel_loop3A_262] {strides = array<i32>} : memref<128x64xi32, #tpu.memory_space<vmem>>, vector<16xi32>,
          %parallel_loop3A_264 = vector.bitcast %parallel_loop3A_263 : vector<16xi32> to vector<32xbf16>
          %parallel_loop3A_265 = arith.index_cast %parallel_loop3A_221 : i32 to index
          %parallel_loop3A_266 = arith.constant 32 : index
          %parallel_loop3A_267 = tpu.vector_load %arg8[%parallel_loop3A_265, %parallel_loop3A_266] {strides = array<i32>} : memref<237x64xi32, #tpu.memory_space<vmem>>, vector<16xi32>,
          %parallel_loop3A_268 = vector.bitcast %parallel_loop3A_267 : vector<16xi32> to vector<32xbf16>
          %parallel_loop3A_269 = arith.mulf %parallel_loop3A_260, %parallel_loop3A_264 : vector<32xbf16>
          %parallel_loop3A_270 = arith.mulf %parallel_loop3A_269, %parallel_loop3A_268 : vector<32xbf16>
          %parallel_loop3A_271 = tpu.unpack_subelements %parallel_loop3A_270, 0 {pack_format = #tpu.pack_format<interleaved>} : vector<32xbf16> -> vector<16xf32>
          %parallel_loop3A_272 = tpu.unpack_subelements %parallel_loop3A_270, 1 {pack_format = #tpu.pack_format<interleaved>} : vector<32xbf16> -> vector<16xf32>
          %parallel_loop3A_273 = arith.addf %parallel_loop3A_256, %parallel_loop3A_271 : vector<16xf32>
          %parallel_loop3A_274 = arith.addf %parallel_loop3A_273, %parallel_loop3A_272 : vector<16xf32>
          %parallel_loop3A_275 = arith.index_cast %parallel_loop3A_217 : i32 to index
          %parallel_loop3A_276 = arith.constant 48 : index
          %parallel_loop3A_277 = tpu.vector_load %arg21[%parallel_loop3A_275, %parallel_loop3A_276] {strides = array<i32>} : memref<128x64xi32, #tpu.memory_space<vmem>>, vector<16xi32>,
          %parallel_loop3A_278 = vector.bitcast %parallel_loop3A_277 : vector<16xi32> to vector<32xbf16>
          %parallel_loop3A_279 = arith.index_cast %parallel_loop3A_217 : i32 to index
          %parallel_loop3A_280 = arith.constant 48 : index
          %parallel_loop3A_281 = tpu.vector_load %arg24[%parallel_loop3A_279, %parallel_loop3A_280] {strides = array<i32>} : memref<128x64xi32, #tpu.memory_space<vmem>>, vector<16xi32>,
          %parallel_loop3A_282 = vector.bitcast %parallel_loop3A_281 : vector<16xi32> to vector<32xbf16>
          %parallel_loop3A_283 = arith.index_cast %parallel_loop3A_221 : i32 to index
          %parallel_loop3A_284 = arith.constant 48 : index
          %parallel_loop3A_285 = tpu.vector_load %arg8[%parallel_loop3A_283, %parallel_loop3A_284] {strides = array<i32>} : memref<237x64xi32, #tpu.memory_space<vmem>>, vector<16xi32>,
          %parallel_loop3A_286 = vector.bitcast %parallel_loop3A_285 : vector<16xi32> to vector<32xbf16>
          %parallel_loop3A_287 = arith.mulf %parallel_loop3A_278, %parallel_loop3A_282 : vector<32xbf16>
          %parallel_loop3A_288 = arith.mulf %parallel_loop3A_287, %parallel_loop3A_286 : vector<32xbf16>
          %parallel_loop3A_289 = tpu.unpack_subelements %parallel_loop3A_288, 0 {pack_format = #tpu.pack_format<interleaved>} : vector<32xbf16> -> vector<16xf32>
          %parallel_loop3A_290 = tpu.unpack_subelements %parallel_loop3A_288, 1 {pack_format = #tpu.pack_format<interleaved>} : vector<32xbf16> -> vector<16xf32>
          %parallel_loop3A_291 = arith.addf %parallel_loop3A_274, %parallel_loop3A_289 : vector<16xf32>
          %parallel_loop3A_292 = arith.addf %parallel_loop3A_291, %parallel_loop3A_290 : vector<16xf32>
          %parallel_loop3A_293 = arith.constant true
          %parallel_loop3A_294 = vector.broadcast %parallel_loop3A_293 : i1 to vector<16xi1>
          %parallel_loop3A_295 = tpu.scan <sum>, %parallel_loop3A_292 masked %parallel_loop3A_294 : vector<16xf32>, vector<16xi1> -> vector<16xf32>
          %parallel_loop3A_296 = arith.index_cast %parallel_loop3A_217 : i32 to index
          %parallel_loop3A_297 = tpu.vector_load %arg9[%parallel_loop3A_296] masked %eq3A_207 {strides = array<i32>} : memref<144xf32, #tpu.memory_space<vmem>>, vector<16xf32>, vector<16xi1>
          tpu.vector_store %arg9[%parallel_loop3A_296], %parallel_loop3A_295 masked %eq3A_207 {strides = array<i32>} : memref<144xf32, #tpu.memory_space<vmem>>, vector<16xf32>, vector<16xi1>
        } {sc.loop_unroll_factor = 2 : i64, sc.parallel_access}
        %mul3A_210 = arith.constant 128 : i32
        %mul3A_211 = arith.muli %add3A_88, %mul3A_210 : i32
        %dma_start3A = arith.constant 0 : i32
        %dma_start3A_212 = tpu.memref_slice %arg9[%dma_start3A] : memref<144xf32, #tpu.memory_space<vmem>> -> memref<128xf32, #tpu.memory_space<vmem>>
        %dma_start3A_213 = tpu.memref_slice %arg7[%mul3A_211] : memref<320000xf32, #tpu.memory_space<hbm>> -> memref<128xf32, #tpu.memory_space<hbm>>
        %dma_start3A_214 = tpu.memref_slice %arg7[%mul3A_211] : memref<320000xf32, #tpu.memory_space<hbm>> -> memref<128xf32, #tpu.memory_space<hbm>>
        %dma_start3A_215 = arith.constant 0 : i32
        %dma_start3A_216 = tpu.memref_slice %arg9[%dma_start3A_215] : memref<144xf32, #tpu.memory_space<vmem>> -> memref<128xf32, #tpu.memory_space<vmem>>
        tpu.enqueue_dma source(%dma_start3A_216 : memref<128xf32, #tpu.memory_space<vmem>>) target(%dma_start3A_214 : memref<128xf32, #tpu.memory_space<hbm>>) target_semaphore(%arg36 : memref<!tpu.dma_semaphore, #tpu.memory_space<semaphore_mem>>)
      } else {
      }
      %add3A_107 = arith.constant 1 : i32
      %add3A_108 = arith.addi %mul3A_59, %add3A_107 : i32
      %add3A_109 = arith.constant 2 : i32
      %add3A_110 = arith.addi %add3A_108, %add3A_109 : i32
      %mul3A_111 = arith.constant 32 : i32
      %mul3A_112 = arith.muli %mul3A_111, %add3A_110 : i32
      %add3A_113 = arith.addi %add3A, %mul3A_112 : i32
      %lt3A_114 = arith.constant 2500 : i32
      %lt3A_115 = arith.cmpi slt, %add3A_113, %lt3A_114 : i32
      %convert_element_type3A_116 = arith.extui %lt3A_115 : i1 to i32
      %cond3A_117 = arith.constant 0 : i32
      %cond3A_118 = arith.cmpi ne, %convert_element_type3A_116, %cond3A_117 : i32
      scf.if %cond3A_118 {
        %mul3A_201 = arith.constant 128 : i32
        %mul3A_202 = arith.muli %add3A_113, %mul3A_201 : i32
        %dma_start3A = tpu.memref_slice %arg3[%mul3A_202] : memref<320000xi32, #tpu.memory_space<hbm>> -> memref<128xi32, #tpu.memory_space<hbm>>
        %dma_start3A_203 = tpu.memref_slice %arg3[%mul3A_202] : memref<320000xi32, #tpu.memory_space<hbm>> -> memref<128xi32, #tpu.memory_space<hbm>>
        tpu.enqueue_dma source(%dma_start3A_203 : memref<128xi32, #tpu.memory_space<hbm>>) target(%arg12 : memref<128xi32, #tpu.memory_space<vmem>>) target_semaphore(%arg27 : memref<!tpu.dma_semaphore, #tpu.memory_space<semaphore_mem>>)
        %dma_start3A_204 = tpu.memref_slice %arg4[%mul3A_202] : memref<320000xi32, #tpu.memory_space<hbm>> -> memref<128xi32, #tpu.memory_space<hbm>>
        %dma_start3A_205 = tpu.memref_slice %arg4[%mul3A_202] : memref<320000xi32, #tpu.memory_space<hbm>> -> memref<128xi32, #tpu.memory_space<hbm>>
        tpu.enqueue_dma source(%dma_start3A_205 : memref<128xi32, #tpu.memory_space<hbm>>) target(%arg15 : memref<128xi32, #tpu.memory_space<vmem>>) target_semaphore(%arg27 : memref<!tpu.dma_semaphore, #tpu.memory_space<semaphore_mem>>)
        %dma_start3A_206 = arith.constant 0 : i32
        %dma_start3A_207 = tpu.memref_slice %arg18[%dma_start3A_206] : memref<144xi32, #tpu.memory_space<vmem>> -> memref<128xi32, #tpu.memory_space<vmem>>
        %dma_start3A_208 = tpu.memref_slice %arg5[%mul3A_202] : memref<320000xi32, #tpu.memory_space<hbm>> -> memref<128xi32, #tpu.memory_space<hbm>>
        %dma_start3A_209 = arith.constant 0 : i32
        %dma_start3A_210 = tpu.memref_slice %arg18[%dma_start3A_209] : memref<144xi32, #tpu.memory_space<vmem>> -> memref<128xi32, #tpu.memory_space<vmem>>
        %dma_start3A_211 = tpu.memref_slice %arg5[%mul3A_202] : memref<320000xi32, #tpu.memory_space<hbm>> -> memref<128xi32, #tpu.memory_space<hbm>>
        tpu.enqueue_dma source(%dma_start3A_211 : memref<128xi32, #tpu.memory_space<hbm>>) target(%dma_start3A_210 : memref<128xi32, #tpu.memory_space<vmem>>) target_semaphore(%arg27 : memref<!tpu.dma_semaphore, #tpu.memory_space<semaphore_mem>>)
      } else {
      }
      %add3A_119 = arith.constant 1 : i32
      %add3A_120 = arith.addi %mul3A_59, %add3A_119 : i32
      %add3A_121 = arith.constant 1 : i32
      %add3A_122 = arith.addi %add3A_120, %add3A_121 : i32
      %mul3A_123 = arith.constant 32 : i32
      %mul3A_124 = arith.muli %mul3A_123, %add3A_122 : i32
      %add3A_125 = arith.addi %add3A, %mul3A_124 : i32
      %lt3A_126 = arith.constant 2500 : i32
      %lt3A_127 = arith.cmpi slt, %add3A_125, %lt3A_126 : i32
      %convert_element_type3A_128 = arith.extui %lt3A_127 : i1 to i32
      %cond3A_129 = arith.constant 0 : i32
      %cond3A_130 = arith.cmpi ne, %convert_element_type3A_128, %cond3A_129 : i32
      scf.if %cond3A_130 {
        %mul3A_201 = arith.constant 128 : i32
        %mul3A_202 = arith.muli %add3A_125, %mul3A_201 : i32
        %dma_wait3A = tpu.memref_slice %arg3[%mul3A_202] : memref<320000xi32, #tpu.memory_space<hbm>> -> memref<128xi32, #tpu.memory_space<hbm>>
        %dma_wait3A_203 = tpu.memref_slice %arg3[%mul3A_202] : memref<320000xi32, #tpu.memory_space<hbm>> -> memref<128xi32, #tpu.memory_space<hbm>>
        tpu.wait_dma2 semaphore(%arg29 : memref<!tpu.dma_semaphore, #tpu.memory_space<semaphore_mem>>) src(%dma_wait3A_203 : memref<128xi32, #tpu.memory_space<hbm>>) dst(%arg14 : memref<128xi32, #tpu.memory_space<vmem>>)
        %dma_wait3A_204 = tpu.memref_slice %arg4[%mul3A_202] : memref<320000xi32, #tpu.memory_space<hbm>> -> memref<128xi32, #tpu.memory_space<hbm>>
        %dma_wait3A_205 = tpu.memref_slice %arg4[%mul3A_202] : memref<320000xi32, #tpu.memory_space<hbm>> -> memref<128xi32, #tpu.memory_space<hbm>>
        tpu.wait_dma2 semaphore(%arg29 : memref<!tpu.dma_semaphore, #tpu.memory_space<semaphore_mem>>) src(%dma_wait3A_205 : memref<128xi32, #tpu.memory_space<hbm>>) dst(%arg17 : memref<128xi32, #tpu.memory_space<vmem>>)
        %dma_wait3A_206 = arith.constant 0 : i32
        %dma_wait3A_207 = tpu.memref_slice %arg20[%dma_wait3A_206] : memref<144xi32, #tpu.memory_space<vmem>> -> memref<128xi32, #tpu.memory_space<vmem>>
        %dma_wait3A_208 = tpu.memref_slice %arg5[%mul3A_202] : memref<320000xi32, #tpu.memory_space<hbm>> -> memref<128xi32, #tpu.memory_space<hbm>>
        %dma_wait3A_209 = arith.constant 0 : i32
        %dma_wait3A_210 = tpu.memref_slice %arg20[%dma_wait3A_209] : memref<144xi32, #tpu.memory_space<vmem>> -> memref<128xi32, #tpu.memory_space<vmem>>
        %dma_wait3A_211 = tpu.memref_slice %arg5[%mul3A_202] : memref<320000xi32, #tpu.memory_space<hbm>> -> memref<128xi32, #tpu.memory_space<hbm>>
        tpu.wait_dma2 semaphore(%arg29 : memref<!tpu.dma_semaphore, #tpu.memory_space<semaphore_mem>>) src(%dma_wait3A_211 : memref<128xi32, #tpu.memory_space<hbm>>) dst(%dma_wait3A_210 : memref<128xi32, #tpu.memory_space<vmem>>)
        %dma_start3A = arith.constant 0 : i32
        %dma_start3A_212 = arith.constant 0 : i32
        %dma_start3A_213 = tpu.memref_slice %arg2[%dma_start3A, %dma_start3A_212] : memref<10000x64xi32, #tpu.memory_space<hbm>> -> memref<10000x64xi32, #tpu.memory_space<hbm>>
        tpu.enqueue_indirect_dma source(%dma_start3A_213 : memref<10000x64xi32, #tpu.memory_space<hbm>>) target(%arg23 : memref<128x64xi32, #tpu.memory_space<vmem>>) offsets(%arg14 : memref<128xi32, #tpu.memory_space<vmem>>) semaphore(%arg32 : memref<!tpu.dma_semaphore, #tpu.memory_space<semaphore_mem>>)
        %dma_start3A_214 = arith.constant 0 : i32
        %dma_start3A_215 = arith.constant 0 : i32
        %dma_start3A_216 = tpu.memref_slice %arg2[%dma_start3A_214, %dma_start3A_215] : memref<10000x64xi32, #tpu.memory_space<hbm>> -> memref<10000x64xi32, #tpu.memory_space<hbm>>
        tpu.enqueue_indirect_dma source(%dma_start3A_216 : memref<10000x64xi32, #tpu.memory_space<hbm>>) target(%arg26 : memref<128x64xi32, #tpu.memory_space<vmem>>) offsets(%arg17 : memref<128xi32, #tpu.memory_space<vmem>>) semaphore(%arg35 : memref<!tpu.dma_semaphore, #tpu.memory_space<semaphore_mem>>)
      } else {
      }
      %add3A_131 = arith.constant 1 : i32
      %add3A_132 = arith.addi %mul3A_59, %add3A_131 : i32
      %mul3A_133 = arith.constant 32 : i32
      %mul3A_134 = arith.muli %mul3A_133, %add3A_132 : i32
      %add3A_135 = arith.addi %add3A, %mul3A_134 : i32
      %mul3A_136 = arith.constant 32 : i32
      %mul3A_137 = arith.muli %mul3A_136, %add3A_132 : i32
      %add3A_138 = arith.addi %add3A, %mul3A_137 : i32
      %sub3A_139 = arith.constant 96 : i32
      %sub3A_140 = arith.subi %add3A_138, %sub3A_139 : i32
      %ge3A_141 = arith.constant 0 : i32
      %ge3A_142 = arith.cmpi sge, %sub3A_140, %ge3A_141 : i32
      %lt3A_143 = arith.constant 2500 : i32
      %lt3A_144 = arith.cmpi slt, %sub3A_140, %lt3A_143 : i32
      %and3A_145 = arith.andi %ge3A_142, %lt3A_144 : i1
      %convert_element_type3A_146 = arith.extui %and3A_145 : i1 to i32
      %cond3A_147 = arith.constant 0 : i32
      %cond3A_148 = arith.cmpi ne, %convert_element_type3A_146, %cond3A_147 : i32
      scf.if %cond3A_148 {
        %mul3A_201 = arith.constant 128 : i32
        %mul3A_202 = arith.muli %sub3A_140, %mul3A_201 : i32
        %dma_wait3A = arith.constant 0 : i32
        %dma_wait3A_203 = tpu.memref_slice %arg10[%dma_wait3A] : memref<144xf32, #tpu.memory_space<vmem>> -> memref<128xf32, #tpu.memory_space<vmem>>
        %dma_wait3A_204 = tpu.memref_slice %arg7[%mul3A_202] : memref<320000xf32, #tpu.memory_space<hbm>> -> memref<128xf32, #tpu.memory_space<hbm>>
        %dma_wait3A_205 = tpu.memref_slice %arg7[%mul3A_202] : memref<320000xf32, #tpu.memory_space<hbm>> -> memref<128xf32, #tpu.memory_space<hbm>>
        %dma_wait3A_206 = arith.constant 0 : i32
        %dma_wait3A_207 = tpu.memref_slice %arg10[%dma_wait3A_206] : memref<144xf32, #tpu.memory_space<vmem>> -> memref<128xf32, #tpu.memory_space<vmem>>
        tpu.wait_dma2 semaphore(%arg37 : memref<!tpu.dma_semaphore, #tpu.memory_space<semaphore_mem>>) src(%dma_wait3A_207 : memref<128xf32, #tpu.memory_space<vmem>>) dst(%dma_wait3A_205 : memref<128xf32, #tpu.memory_space<hbm>>)
      } else {
      }
      %lt3A_149 = arith.constant 2500 : i32
      %lt3A_150 = arith.cmpi slt, %add3A_135, %lt3A_149 : i32
      %convert_element_type3A_151 = arith.extui %lt3A_150 : i1 to i32
      %cond3A_152 = arith.constant 0 : i32
      %cond3A_153 = arith.cmpi ne, %convert_element_type3A_151, %cond3A_152 : i32
      scf.if %cond3A_153 {
        %dma_wait3A = arith.constant 0 : i32
        %dma_wait3A_201 = arith.constant 0 : i32
        %dma_wait3A_202 = tpu.memref_slice %arg2[%dma_wait3A, %dma_wait3A_201] : memref<10000x64xi32, #tpu.memory_space<hbm>> -> memref<10000x64xi32, #tpu.memory_space<hbm>>
        tpu.wait_indirect_dma semaphore(%arg31 : memref<!tpu.dma_semaphore, #tpu.memory_space<semaphore_mem>>) src(%dma_wait3A_202 : memref<10000x64xi32, #tpu.memory_space<hbm>>) dst(%arg22 : memref<128x64xi32, #tpu.memory_space<vmem>>)
        %dma_wait3A_203 = arith.constant 0 : i32
        %dma_wait3A_204 = arith.constant 0 : i32
        %dma_wait3A_205 = tpu.memref_slice %arg2[%dma_wait3A_203, %dma_wait3A_204] : memref<10000x64xi32, #tpu.memory_space<hbm>> -> memref<10000x64xi32, #tpu.memory_space<hbm>>
        tpu.wait_indirect_dma semaphore(%arg34 : memref<!tpu.dma_semaphore, #tpu.memory_space<semaphore_mem>>) src(%dma_wait3A_205 : memref<10000x64xi32, #tpu.memory_space<hbm>>) dst(%arg25 : memref<128x64xi32, #tpu.memory_space<vmem>>)
        %iota3A = tpu.iota {dimensions = array<i32: 0>} : vector<16xi32>
        %eq3A = arith.constant 15 : i32
        %eq3A_206 = vector.broadcast %eq3A : i32 to vector<16xi32>
        %eq3A_207 = arith.cmpi eq, %iota3A, %eq3A_206 : vector<16xi32>
        %parallel_loop3A = arith.constant 0 : i32
        %parallel_loop3A_208 = arith.constant 128 : i32
        %parallel_loop3A_209 = arith.constant 1 : i32
        scf.for %parallel_loop3A_217 = %parallel_loop3A to %parallel_loop3A_208 step %parallel_loop3A_209  : i32 {
          %parallel_loop3A_218 = arith.index_cast %parallel_loop3A_217 : i32 to index
          %parallel_loop3A_219 = tpu.vector_load %arg19[%parallel_loop3A_218] {strides = array<i32>} : memref<144xi32, #tpu.memory_space<vmem>>, vector<16xi32>,
          %parallel_loop3A_220 = vector.extract_strided_slice %parallel_loop3A_219 {offsets = [0], sizes = [1], strides = [1]} : vector<16xi32> to vector<1xi32>
          %parallel_loop3A_221 = vector.extract %parallel_loop3A_220[0] : i32 from vector<1xi32>
          %parallel_loop3A_222 = arith.index_cast %parallel_loop3A_217 : i32 to index
          %parallel_loop3A_223 = arith.constant 0 : index
          %parallel_loop3A_224 = tpu.vector_load %arg22[%parallel_loop3A_222, %parallel_loop3A_223] {strides = array<i32>} : memref<128x64xi32, #tpu.memory_space<vmem>>, vector<16xi32>,
          %parallel_loop3A_225 = vector.bitcast %parallel_loop3A_224 : vector<16xi32> to vector<32xbf16>
          %parallel_loop3A_226 = arith.index_cast %parallel_loop3A_217 : i32 to index
          %parallel_loop3A_227 = arith.constant 0 : index
          %parallel_loop3A_228 = tpu.vector_load %arg25[%parallel_loop3A_226, %parallel_loop3A_227] {strides = array<i32>} : memref<128x64xi32, #tpu.memory_space<vmem>>, vector<16xi32>,
          %parallel_loop3A_229 = vector.bitcast %parallel_loop3A_228 : vector<16xi32> to vector<32xbf16>
          %parallel_loop3A_230 = arith.index_cast %parallel_loop3A_221 : i32 to index
          %parallel_loop3A_231 = arith.constant 0 : index
          %parallel_loop3A_232 = tpu.vector_load %arg8[%parallel_loop3A_230, %parallel_loop3A_231] {strides = array<i32>} : memref<237x64xi32, #tpu.memory_space<vmem>>, vector<16xi32>,
          %parallel_loop3A_233 = vector.bitcast %parallel_loop3A_232 : vector<16xi32> to vector<32xbf16>
          %parallel_loop3A_234 = arith.mulf %parallel_loop3A_225, %parallel_loop3A_229 : vector<32xbf16>
          %parallel_loop3A_235 = arith.mulf %parallel_loop3A_234, %parallel_loop3A_233 : vector<32xbf16>
          %parallel_loop3A_236 = tpu.unpack_subelements %parallel_loop3A_235, 0 {pack_format = #tpu.pack_format<interleaved>} : vector<32xbf16> -> vector<16xf32>
          %parallel_loop3A_237 = tpu.unpack_subelements %parallel_loop3A_235, 1 {pack_format = #tpu.pack_format<interleaved>} : vector<32xbf16> -> vector<16xf32>
          %parallel_loop3A_238 = arith.addf %parallel_loop3A_236, %parallel_loop3A_237 : vector<16xf32>
          %parallel_loop3A_239 = arith.index_cast %parallel_loop3A_217 : i32 to index
          %parallel_loop3A_240 = arith.constant 16 : index
          %parallel_loop3A_241 = tpu.vector_load %arg22[%parallel_loop3A_239, %parallel_loop3A_240] {strides = array<i32>} : memref<128x64xi32, #tpu.memory_space<vmem>>, vector<16xi32>,
          %parallel_loop3A_242 = vector.bitcast %parallel_loop3A_241 : vector<16xi32> to vector<32xbf16>
          %parallel_loop3A_243 = arith.index_cast %parallel_loop3A_217 : i32 to index
          %parallel_loop3A_244 = arith.constant 16 : index
          %parallel_loop3A_245 = tpu.vector_load %arg25[%parallel_loop3A_243, %parallel_loop3A_244] {strides = array<i32>} : memref<128x64xi32, #tpu.memory_space<vmem>>, vector<16xi32>,
          %parallel_loop3A_246 = vector.bitcast %parallel_loop3A_245 : vector<16xi32> to vector<32xbf16>
          %parallel_loop3A_247 = arith.index_cast %parallel_loop3A_221 : i32 to index
          %parallel_loop3A_248 = arith.constant 16 : index
          %parallel_loop3A_249 = tpu.vector_load %arg8[%parallel_loop3A_247, %parallel_loop3A_248] {strides = array<i32>} : memref<237x64xi32, #tpu.memory_space<vmem>>, vector<16xi32>,
          %parallel_loop3A_250 = vector.bitcast %parallel_loop3A_249 : vector<16xi32> to vector<32xbf16>
          %parallel_loop3A_251 = arith.mulf %parallel_loop3A_242, %parallel_loop3A_246 : vector<32xbf16>
          %parallel_loop3A_252 = arith.mulf %parallel_loop3A_251, %parallel_loop3A_250 : vector<32xbf16>
          %parallel_loop3A_253 = tpu.unpack_subelements %parallel_loop3A_252, 0 {pack_format = #tpu.pack_format<interleaved>} : vector<32xbf16> -> vector<16xf32>
          %parallel_loop3A_254 = tpu.unpack_subelements %parallel_loop3A_252, 1 {pack_format = #tpu.pack_format<interleaved>} : vector<32xbf16> -> vector<16xf32>
          %parallel_loop3A_255 = arith.addf %parallel_loop3A_238, %parallel_loop3A_253 : vector<16xf32>
          %parallel_loop3A_256 = arith.addf %parallel_loop3A_255, %parallel_loop3A_254 : vector<16xf32>
          %parallel_loop3A_257 = arith.index_cast %parallel_loop3A_217 : i32 to index
          %parallel_loop3A_258 = arith.constant 32 : index
          %parallel_loop3A_259 = tpu.vector_load %arg22[%parallel_loop3A_257, %parallel_loop3A_258] {strides = array<i32>} : memref<128x64xi32, #tpu.memory_space<vmem>>, vector<16xi32>,
          %parallel_loop3A_260 = vector.bitcast %parallel_loop3A_259 : vector<16xi32> to vector<32xbf16>
          %parallel_loop3A_261 = arith.index_cast %parallel_loop3A_217 : i32 to index
          %parallel_loop3A_262 = arith.constant 32 : index
          %parallel_loop3A_263 = tpu.vector_load %arg25[%parallel_loop3A_261, %parallel_loop3A_262] {strides = array<i32>} : memref<128x64xi32, #tpu.memory_space<vmem>>, vector<16xi32>,
          %parallel_loop3A_264 = vector.bitcast %parallel_loop3A_263 : vector<16xi32> to vector<32xbf16>
          %parallel_loop3A_265 = arith.index_cast %parallel_loop3A_221 : i32 to index
          %parallel_loop3A_266 = arith.constant 32 : index
          %parallel_loop3A_267 = tpu.vector_load %arg8[%parallel_loop3A_265, %parallel_loop3A_266] {strides = array<i32>} : memref<237x64xi32, #tpu.memory_space<vmem>>, vector<16xi32>,
          %parallel_loop3A_268 = vector.bitcast %parallel_loop3A_267 : vector<16xi32> to vector<32xbf16>
          %parallel_loop3A_269 = arith.mulf %parallel_loop3A_260, %parallel_loop3A_264 : vector<32xbf16>
          %parallel_loop3A_270 = arith.mulf %parallel_loop3A_269, %parallel_loop3A_268 : vector<32xbf16>
          %parallel_loop3A_271 = tpu.unpack_subelements %parallel_loop3A_270, 0 {pack_format = #tpu.pack_format<interleaved>} : vector<32xbf16> -> vector<16xf32>
          %parallel_loop3A_272 = tpu.unpack_subelements %parallel_loop3A_270, 1 {pack_format = #tpu.pack_format<interleaved>} : vector<32xbf16> -> vector<16xf32>
          %parallel_loop3A_273 = arith.addf %parallel_loop3A_256, %parallel_loop3A_271 : vector<16xf32>
          %parallel_loop3A_274 = arith.addf %parallel_loop3A_273, %parallel_loop3A_272 : vector<16xf32>
          %parallel_loop3A_275 = arith.index_cast %parallel_loop3A_217 : i32 to index
          %parallel_loop3A_276 = arith.constant 48 : index
          %parallel_loop3A_277 = tpu.vector_load %arg22[%parallel_loop3A_275, %parallel_loop3A_276] {strides = array<i32>} : memref<128x64xi32, #tpu.memory_space<vmem>>, vector<16xi32>,
          %parallel_loop3A_278 = vector.bitcast %parallel_loop3A_277 : vector<16xi32> to vector<32xbf16>
          %parallel_loop3A_279 = arith.index_cast %parallel_loop3A_217 : i32 to index
          %parallel_loop3A_280 = arith.constant 48 : index
          %parallel_loop3A_281 = tpu.vector_load %arg25[%parallel_loop3A_279, %parallel_loop3A_280] {strides = array<i32>} : memref<128x64xi32, #tpu.memory_space<vmem>>, vector<16xi32>,
          %parallel_loop3A_282 = vector.bitcast %parallel_loop3A_281 : vector<16xi32> to vector<32xbf16>
          %parallel_loop3A_283 = arith.index_cast %parallel_loop3A_221 : i32 to index
          %parallel_loop3A_284 = arith.constant 48 : index
          %parallel_loop3A_285 = tpu.vector_load %arg8[%parallel_loop3A_283, %parallel_loop3A_284] {strides = array<i32>} : memref<237x64xi32, #tpu.memory_space<vmem>>, vector<16xi32>,
          %parallel_loop3A_286 = vector.bitcast %parallel_loop3A_285 : vector<16xi32> to vector<32xbf16>
          %parallel_loop3A_287 = arith.mulf %parallel_loop3A_278, %parallel_loop3A_282 : vector<32xbf16>
          %parallel_loop3A_288 = arith.mulf %parallel_loop3A_287, %parallel_loop3A_286 : vector<32xbf16>
          %parallel_loop3A_289 = tpu.unpack_subelements %parallel_loop3A_288, 0 {pack_format = #tpu.pack_format<interleaved>} : vector<32xbf16> -> vector<16xf32>
          %parallel_loop3A_290 = tpu.unpack_subelements %parallel_loop3A_288, 1 {pack_format = #tpu.pack_format<interleaved>} : vector<32xbf16> -> vector<16xf32>
          %parallel_loop3A_291 = arith.addf %parallel_loop3A_274, %parallel_loop3A_289 : vector<16xf32>
          %parallel_loop3A_292 = arith.addf %parallel_loop3A_291, %parallel_loop3A_290 : vector<16xf32>
          %parallel_loop3A_293 = arith.constant true
          %parallel_loop3A_294 = vector.broadcast %parallel_loop3A_293 : i1 to vector<16xi1>
          %parallel_loop3A_295 = tpu.scan <sum>, %parallel_loop3A_292 masked %parallel_loop3A_294 : vector<16xf32>, vector<16xi1> -> vector<16xf32>
          %parallel_loop3A_296 = arith.index_cast %parallel_loop3A_217 : i32 to index
          %parallel_loop3A_297 = tpu.vector_load %arg10[%parallel_loop3A_296] masked %eq3A_207 {strides = array<i32>} : memref<144xf32, #tpu.memory_space<vmem>>, vector<16xf32>, vector<16xi1>
          tpu.vector_store %arg10[%parallel_loop3A_296], %parallel_loop3A_295 masked %eq3A_207 {strides = array<i32>} : memref<144xf32, #tpu.memory_space<vmem>>, vector<16xf32>, vector<16xi1>
        } {sc.loop_unroll_factor = 2 : i64, sc.parallel_access}
        %mul3A_210 = arith.constant 128 : i32
        %mul3A_211 = arith.muli %add3A_135, %mul3A_210 : i32
        %dma_start3A = arith.constant 0 : i32
        %dma_start3A_212 = tpu.memref_slice %arg10[%dma_start3A] : memref<144xf32, #tpu.memory_space<vmem>> -> memref<128xf32, #tpu.memory_space<vmem>>
        %dma_start3A_213 = tpu.memref_slice %arg7[%mul3A_211] : memref<320000xf32, #tpu.memory_space<hbm>> -> memref<128xf32, #tpu.memory_space<hbm>>
        %dma_start3A_214 = tpu.memref_slice %arg7[%mul3A_211] : memref<320000xf32, #tpu.memory_space<hbm>> -> memref<128xf32, #tpu.memory_space<hbm>>
        %dma_start3A_215 = arith.constant 0 : i32
        %dma_start3A_216 = tpu.memref_slice %arg10[%dma_start3A_215] : memref<144xf32, #tpu.memory_space<vmem>> -> memref<128xf32, #tpu.memory_space<vmem>>
        tpu.enqueue_dma source(%dma_start3A_216 : memref<128xf32, #tpu.memory_space<vmem>>) target(%dma_start3A_214 : memref<128xf32, #tpu.memory_space<hbm>>) target_semaphore(%arg37 : memref<!tpu.dma_semaphore, #tpu.memory_space<semaphore_mem>>)
      } else {
      }
      %add3A_154 = arith.constant 2 : i32
      %add3A_155 = arith.addi %mul3A_59, %add3A_154 : i32
      %add3A_156 = arith.constant 2 : i32
      %add3A_157 = arith.addi %add3A_155, %add3A_156 : i32
      %mul3A_158 = arith.constant 32 : i32
      %mul3A_159 = arith.muli %mul3A_158, %add3A_157 : i32
      %add3A_160 = arith.addi %add3A, %mul3A_159 : i32
      %lt3A_161 = arith.constant 2500 : i32
      %lt3A_162 = arith.cmpi slt, %add3A_160, %lt3A_161 : i32
      %convert_element_type3A_163 = arith.extui %lt3A_162 : i1 to i32
      %cond3A_164 = arith.constant 0 : i32
      %cond3A_165 = arith.cmpi ne, %convert_element_type3A_163, %cond3A_164 : i32
      scf.if %cond3A_165 {
        %mul3A_201 = arith.constant 128 : i32
        %mul3A_202 = arith.muli %add3A_160, %mul3A_201 : i32
        %dma_start3A = tpu.memref_slice %arg3[%mul3A_202] : memref<320000xi32, #tpu.memory_space<hbm>> -> memref<128xi32, #tpu.memory_space<hbm>>
        %dma_start3A_203 = tpu.memref_slice %arg3[%mul3A_202] : memref<320000xi32, #tpu.memory_space<hbm>> -> memref<128xi32, #tpu.memory_space<hbm>>
        tpu.enqueue_dma source(%dma_start3A_203 : memref<128xi32, #tpu.memory_space<hbm>>) target(%arg13 : memref<128xi32, #tpu.memory_space<vmem>>) target_semaphore(%arg28 : memref<!tpu.dma_semaphore, #tpu.memory_space<semaphore_mem>>)
        %dma_start3A_204 = tpu.memref_slice %arg4[%mul3A_202] : memref<320000xi32, #tpu.memory_space<hbm>> -> memref<128xi32, #tpu.memory_space<hbm>>
        %dma_start3A_205 = tpu.memref_slice %arg4[%mul3A_202] : memref<320000xi32, #tpu.memory_space<hbm>> -> memref<128xi32, #tpu.memory_space<hbm>>
        tpu.enqueue_dma source(%dma_start3A_205 : memref<128xi32, #tpu.memory_space<hbm>>) target(%arg16 : memref<128xi32, #tpu.memory_space<vmem>>) target_semaphore(%arg28 : memref<!tpu.dma_semaphore, #tpu.memory_space<semaphore_mem>>)
        %dma_start3A_206 = arith.constant 0 : i32
        %dma_start3A_207 = tpu.memref_slice %arg19[%dma_start3A_206] : memref<144xi32, #tpu.memory_space<vmem>> -> memref<128xi32, #tpu.memory_space<vmem>>
        %dma_start3A_208 = tpu.memref_slice %arg5[%mul3A_202] : memref<320000xi32, #tpu.memory_space<hbm>> -> memref<128xi32, #tpu.memory_space<hbm>>
        %dma_start3A_209 = arith.constant 0 : i32
        %dma_start3A_210 = tpu.memref_slice %arg19[%dma_start3A_209] : memref<144xi32, #tpu.memory_space<vmem>> -> memref<128xi32, #tpu.memory_space<vmem>>
        %dma_start3A_211 = tpu.memref_slice %arg5[%mul3A_202] : memref<320000xi32, #tpu.memory_space<hbm>> -> memref<128xi32, #tpu.memory_space<hbm>>
        tpu.enqueue_dma source(%dma_start3A_211 : memref<128xi32, #tpu.memory_space<hbm>>) target(%dma_start3A_210 : memref<128xi32, #tpu.memory_space<vmem>>) target_semaphore(%arg28 : memref<!tpu.dma_semaphore, #tpu.memory_space<semaphore_mem>>)
      } else {
      }
      %add3A_166 = arith.constant 2 : i32
      %add3A_167 = arith.addi %mul3A_59, %add3A_166 : i32
      %add3A_168 = arith.constant 1 : i32
      %add3A_169 = arith.addi %add3A_167, %add3A_168 : i32
      %mul3A_170 = arith.constant 32 : i32
      %mul3A_171 = arith.muli %mul3A_170, %add3A_169 : i32
      %add3A_172 = arith.addi %add3A, %mul3A_171 : i32
      %lt3A_173 = arith.constant 2500 : i32
      %lt3A_174 = arith.cmpi slt, %add3A_172, %lt3A_173 : i32
      %convert_element_type3A_175 = arith.extui %lt3A_174 : i1 to i32
      %cond3A_176 = arith.constant 0 : i32
      %cond3A_177 = arith.cmpi ne, %convert_element_type3A_175, %cond3A_176 : i32
      scf.if %cond3A_177 {
        %mul3A_201 = arith.constant 128 : i32
        %mul3A_202 = arith.muli %add3A_172, %mul3A_201 : i32
        %dma_wait3A = tpu.memref_slice %arg3[%mul3A_202] : memref<320000xi32, #tpu.memory_space<hbm>> -> memref<128xi32, #tpu.memory_space<hbm>>
        %dma_wait3A_203 = tpu.memref_slice %arg3[%mul3A_202] : memref<320000xi32, #tpu.memory_space<hbm>> -> memref<128xi32, #tpu.memory_space<hbm>>
        tpu.wait_dma2 semaphore(%arg27 : memref<!tpu.dma_semaphore, #tpu.memory_space<semaphore_mem>>) src(%dma_wait3A_203 : memref<128xi32, #tpu.memory_space<hbm>>) dst(%arg12 : memref<128xi32, #tpu.memory_space<vmem>>)
        %dma_wait3A_204 = tpu.memref_slice %arg4[%mul3A_202] : memref<320000xi32, #tpu.memory_space<hbm>> -> memref<128xi32, #tpu.memory_space<hbm>>
        %dma_wait3A_205 = tpu.memref_slice %arg4[%mul3A_202] : memref<320000xi32, #tpu.memory_space<hbm>> -> memref<128xi32, #tpu.memory_space<hbm>>
        tpu.wait_dma2 semaphore(%arg27 : memref<!tpu.dma_semaphore, #tpu.memory_space<semaphore_mem>>) src(%dma_wait3A_205 : memref<128xi32, #tpu.memory_space<hbm>>) dst(%arg15 : memref<128xi32, #tpu.memory_space<vmem>>)
        %dma_wait3A_206 = arith.constant 0 : i32
        %dma_wait3A_207 = tpu.memref_slice %arg18[%dma_wait3A_206] : memref<144xi32, #tpu.memory_space<vmem>> -> memref<128xi32, #tpu.memory_space<vmem>>
        %dma_wait3A_208 = tpu.memref_slice %arg5[%mul3A_202] : memref<320000xi32, #tpu.memory_space<hbm>> -> memref<128xi32, #tpu.memory_space<hbm>>
        %dma_wait3A_209 = arith.constant 0 : i32
        %dma_wait3A_210 = tpu.memref_slice %arg18[%dma_wait3A_209] : memref<144xi32, #tpu.memory_space<vmem>> -> memref<128xi32, #tpu.memory_space<vmem>>
        %dma_wait3A_211 = tpu.memref_slice %arg5[%mul3A_202] : memref<320000xi32, #tpu.memory_space<hbm>> -> memref<128xi32, #tpu.memory_space<hbm>>
        tpu.wait_dma2 semaphore(%arg27 : memref<!tpu.dma_semaphore, #tpu.memory_space<semaphore_mem>>) src(%dma_wait3A_211 : memref<128xi32, #tpu.memory_space<hbm>>) dst(%dma_wait3A_210 : memref<128xi32, #tpu.memory_space<vmem>>)
        %dma_start3A = arith.constant 0 : i32
        %dma_start3A_212 = arith.constant 0 : i32
        %dma_start3A_213 = tpu.memref_slice %arg2[%dma_start3A, %dma_start3A_212] : memref<10000x64xi32, #tpu.memory_space<hbm>> -> memref<10000x64xi32, #tpu.memory_space<hbm>>
        tpu.enqueue_indirect_dma source(%dma_start3A_213 : memref<10000x64xi32, #tpu.memory_space<hbm>>) target(%arg21 : memref<128x64xi32, #tpu.memory_space<vmem>>) offsets(%arg12 : memref<128xi32, #tpu.memory_space<vmem>>) semaphore(%arg30 : memref<!tpu.dma_semaphore, #tpu.memory_space<semaphore_mem>>)
        %dma_start3A_214 = arith.constant 0 : i32
        %dma_start3A_215 = arith.constant 0 : i32
        %dma_start3A_216 = tpu.memref_slice %arg2[%dma_start3A_214, %dma_start3A_215] : memref<10000x64xi32, #tpu.memory_space<hbm>> -> memref<10000x64xi32, #tpu.memory_space<hbm>>
        tpu.enqueue_indirect_dma source(%dma_start3A_216 : memref<10000x64xi32, #tpu.memory_space<hbm>>) target(%arg24 : memref<128x64xi32, #tpu.memory_space<vmem>>) offsets(%arg15 : memref<128xi32, #tpu.memory_space<vmem>>) semaphore(%arg33 : memref<!tpu.dma_semaphore, #tpu.memory_space<semaphore_mem>>)
      } else {
      }
      %add3A_178 = arith.constant 2 : i32
      %add3A_179 = arith.addi %mul3A_59, %add3A_178 : i32
      %mul3A_180 = arith.constant 32 : i32
      %mul3A_181 = arith.muli %mul3A_180, %add3A_179 : i32
      %add3A_182 = arith.addi %add3A, %mul3A_181 : i32
      %mul3A_183 = arith.constant 32 : i32
      %mul3A_184 = arith.muli %mul3A_183, %add3A_179 : i32
      %add3A_185 = arith.addi %add3A, %mul3A_184 : i32
      %sub3A_186 = arith.constant 96 : i32
      %sub3A_187 = arith.subi %add3A_185, %sub3A_186 : i32
      %ge3A_188 = arith.constant 0 : i32
      %ge3A_189 = arith.cmpi sge, %sub3A_187, %ge3A_188 : i32
      %lt3A_190 = arith.constant 2500 : i32
      %lt3A_191 = arith.cmpi slt, %sub3A_187, %lt3A_190 : i32
      %and3A_192 = arith.andi %ge3A_189, %lt3A_191 : i1
      %convert_element_type3A_193 = arith.extui %and3A_192 : i1 to i32
      %cond3A_194 = arith.constant 0 : i32
      %cond3A_195 = arith.cmpi ne, %convert_element_type3A_193, %cond3A_194 : i32
      scf.if %cond3A_195 {
        %mul3A_201 = arith.constant 128 : i32
        %mul3A_202 = arith.muli %sub3A_187, %mul3A_201 : i32
        %dma_wait3A = arith.constant 0 : i32
        %dma_wait3A_203 = tpu.memref_slice %arg11[%dma_wait3A] : memref<144xf32, #tpu.memory_space<vmem>> -> memref<128xf32, #tpu.memory_space<vmem>>
        %dma_wait3A_204 = tpu.memref_slice %arg7[%mul3A_202] : memref<320000xf32, #tpu.memory_space<hbm>> -> memref<128xf32, #tpu.memory_space<hbm>>
        %dma_wait3A_205 = tpu.memref_slice %arg7[%mul3A_202] : memref<320000xf32, #tpu.memory_space<hbm>> -> memref<128xf32, #tpu.memory_space<hbm>>
        %dma_wait3A_206 = arith.constant 0 : i32
        %dma_wait3A_207 = tpu.memref_slice %arg11[%dma_wait3A_206] : memref<144xf32, #tpu.memory_space<vmem>> -> memref<128xf32, #tpu.memory_space<vmem>>
        tpu.wait_dma2 semaphore(%arg38 : memref<!tpu.dma_semaphore, #tpu.memory_space<semaphore_mem>>) src(%dma_wait3A_207 : memref<128xf32, #tpu.memory_space<vmem>>) dst(%dma_wait3A_205 : memref<128xf32, #tpu.memory_space<hbm>>)
      } else {
      }
      %lt3A_196 = arith.constant 2500 : i32
      %lt3A_197 = arith.cmpi slt, %add3A_182, %lt3A_196 : i32
      %convert_element_type3A_198 = arith.extui %lt3A_197 : i1 to i32
      %cond3A_199 = arith.constant 0 : i32
      %cond3A_200 = arith.cmpi ne, %convert_element_type3A_198, %cond3A_199 : i32
      scf.if %cond3A_200 {
        %dma_wait3A = arith.constant 0 : i32
        %dma_wait3A_201 = arith.constant 0 : i32
        %dma_wait3A_202 = tpu.memref_slice %arg2[%dma_wait3A, %dma_wait3A_201] : memref<10000x64xi32, #tpu.memory_space<hbm>> -> memref<10000x64xi32, #tpu.memory_space<hbm>>
        tpu.wait_indirect_dma semaphore(%arg32 : memref<!tpu.dma_semaphore, #tpu.memory_space<semaphore_mem>>) src(%dma_wait3A_202 : memref<10000x64xi32, #tpu.memory_space<hbm>>) dst(%arg23 : memref<128x64xi32, #tpu.memory_space<vmem>>)
        %dma_wait3A_203 = arith.constant 0 : i32
        %dma_wait3A_204 = arith.constant 0 : i32
        %dma_wait3A_205 = tpu.memref_slice %arg2[%dma_wait3A_203, %dma_wait3A_204] : memref<10000x64xi32, #tpu.memory_space<hbm>> -> memref<10000x64xi32, #tpu.memory_space<hbm>>
        tpu.wait_indirect_dma semaphore(%arg35 : memref<!tpu.dma_semaphore, #tpu.memory_space<semaphore_mem>>) src(%dma_wait3A_205 : memref<10000x64xi32, #tpu.memory_space<hbm>>) dst(%arg26 : memref<128x64xi32, #tpu.memory_space<vmem>>)
        %iota3A = tpu.iota {dimensions = array<i32: 0>} : vector<16xi32>
        %eq3A = arith.constant 15 : i32
        %eq3A_206 = vector.broadcast %eq3A : i32 to vector<16xi32>
        %eq3A_207 = arith.cmpi eq, %iota3A, %eq3A_206 : vector<16xi32>
        %parallel_loop3A = arith.constant 0 : i32
        %parallel_loop3A_208 = arith.constant 128 : i32
        %parallel_loop3A_209 = arith.constant 1 : i32
        scf.for %parallel_loop3A_217 = %parallel_loop3A to %parallel_loop3A_208 step %parallel_loop3A_209  : i32 {
          %parallel_loop3A_218 = arith.index_cast %parallel_loop3A_217 : i32 to index
          %parallel_loop3A_219 = tpu.vector_load %arg20[%parallel_loop3A_218] {strides = array<i32>} : memref<144xi32, #tpu.memory_space<vmem>>, vector<16xi32>,
          %parallel_loop3A_220 = vector.extract_strided_slice %parallel_loop3A_219 {offsets = [0], sizes = [1], strides = [1]} : vector<16xi32> to vector<1xi32>
          %parallel_loop3A_221 = vector.extract %parallel_loop3A_220[0] : i32 from vector<1xi32>
          %parallel_loop3A_222 = arith.index_cast %parallel_loop3A_217 : i32 to index
          %parallel_loop3A_223 = arith.constant 0 : index
          %parallel_loop3A_224 = tpu.vector_load %arg23[%parallel_loop3A_222, %parallel_loop3A_223] {strides = array<i32>} : memref<128x64xi32, #tpu.memory_space<vmem>>, vector<16xi32>,
          %parallel_loop3A_225 = vector.bitcast %parallel_loop3A_224 : vector<16xi32> to vector<32xbf16>
          %parallel_loop3A_226 = arith.index_cast %parallel_loop3A_217 : i32 to index
          %parallel_loop3A_227 = arith.constant 0 : index
          %parallel_loop3A_228 = tpu.vector_load %arg26[%parallel_loop3A_226, %parallel_loop3A_227] {strides = array<i32>} : memref<128x64xi32, #tpu.memory_space<vmem>>, vector<16xi32>,
          %parallel_loop3A_229 = vector.bitcast %parallel_loop3A_228 : vector<16xi32> to vector<32xbf16>
          %parallel_loop3A_230 = arith.index_cast %parallel_loop3A_221 : i32 to index
          %parallel_loop3A_231 = arith.constant 0 : index
          %parallel_loop3A_232 = tpu.vector_load %arg8[%parallel_loop3A_230, %parallel_loop3A_231] {strides = array<i32>} : memref<237x64xi32, #tpu.memory_space<vmem>>, vector<16xi32>,
          %parallel_loop3A_233 = vector.bitcast %parallel_loop3A_232 : vector<16xi32> to vector<32xbf16>
          %parallel_loop3A_234 = arith.mulf %parallel_loop3A_225, %parallel_loop3A_229 : vector<32xbf16>
          %parallel_loop3A_235 = arith.mulf %parallel_loop3A_234, %parallel_loop3A_233 : vector<32xbf16>
          %parallel_loop3A_236 = tpu.unpack_subelements %parallel_loop3A_235, 0 {pack_format = #tpu.pack_format<interleaved>} : vector<32xbf16> -> vector<16xf32>
          %parallel_loop3A_237 = tpu.unpack_subelements %parallel_loop3A_235, 1 {pack_format = #tpu.pack_format<interleaved>} : vector<32xbf16> -> vector<16xf32>
          %parallel_loop3A_238 = arith.addf %parallel_loop3A_236, %parallel_loop3A_237 : vector<16xf32>
          %parallel_loop3A_239 = arith.index_cast %parallel_loop3A_217 : i32 to index
          %parallel_loop3A_240 = arith.constant 16 : index
          %parallel_loop3A_241 = tpu.vector_load %arg23[%parallel_loop3A_239, %parallel_loop3A_240] {strides = array<i32>} : memref<128x64xi32, #tpu.memory_space<vmem>>, vector<16xi32>,
          %parallel_loop3A_242 = vector.bitcast %parallel_loop3A_241 : vector<16xi32> to vector<32xbf16>
          %parallel_loop3A_243 = arith.index_cast %parallel_loop3A_217 : i32 to index
          %parallel_loop3A_244 = arith.constant 16 : index
          %parallel_loop3A_245 = tpu.vector_load %arg26[%parallel_loop3A_243, %parallel_loop3A_244] {strides = array<i32>} : memref<128x64xi32, #tpu.memory_space<vmem>>, vector<16xi32>,
          %parallel_loop3A_246 = vector.bitcast %parallel_loop3A_245 : vector<16xi32> to vector<32xbf16>
          %parallel_loop3A_247 = arith.index_cast %parallel_loop3A_221 : i32 to index
          %parallel_loop3A_248 = arith.constant 16 : index
          %parallel_loop3A_249 = tpu.vector_load %arg8[%parallel_loop3A_247, %parallel_loop3A_248] {strides = array<i32>} : memref<237x64xi32, #tpu.memory_space<vmem>>, vector<16xi32>,
          %parallel_loop3A_250 = vector.bitcast %parallel_loop3A_249 : vector<16xi32> to vector<32xbf16>
          %parallel_loop3A_251 = arith.mulf %parallel_loop3A_242, %parallel_loop3A_246 : vector<32xbf16>
          %parallel_loop3A_252 = arith.mulf %parallel_loop3A_251, %parallel_loop3A_250 : vector<32xbf16>
          %parallel_loop3A_253 = tpu.unpack_subelements %parallel_loop3A_252, 0 {pack_format = #tpu.pack_format<interleaved>} : vector<32xbf16> -> vector<16xf32>
          %parallel_loop3A_254 = tpu.unpack_subelements %parallel_loop3A_252, 1 {pack_format = #tpu.pack_format<interleaved>} : vector<32xbf16> -> vector<16xf32>
          %parallel_loop3A_255 = arith.addf %parallel_loop3A_238, %parallel_loop3A_253 : vector<16xf32>
          %parallel_loop3A_256 = arith.addf %parallel_loop3A_255, %parallel_loop3A_254 : vector<16xf32>
          %parallel_loop3A_257 = arith.index_cast %parallel_loop3A_217 : i32 to index
          %parallel_loop3A_258 = arith.constant 32 : index
          %parallel_loop3A_259 = tpu.vector_load %arg23[%parallel_loop3A_257, %parallel_loop3A_258] {strides = array<i32>} : memref<128x64xi32, #tpu.memory_space<vmem>>, vector<16xi32>,
          %parallel_loop3A_260 = vector.bitcast %parallel_loop3A_259 : vector<16xi32> to vector<32xbf16>
          %parallel_loop3A_261 = arith.index_cast %parallel_loop3A_217 : i32 to index
          %parallel_loop3A_262 = arith.constant 32 : index
          %parallel_loop3A_263 = tpu.vector_load %arg26[%parallel_loop3A_261, %parallel_loop3A_262] {strides = array<i32>} : memref<128x64xi32, #tpu.memory_space<vmem>>, vector<16xi32>,
          %parallel_loop3A_264 = vector.bitcast %parallel_loop3A_263 : vector<16xi32> to vector<32xbf16>
          %parallel_loop3A_265 = arith.index_cast %parallel_loop3A_221 : i32 to index
          %parallel_loop3A_266 = arith.constant 32 : index
          %parallel_loop3A_267 = tpu.vector_load %arg8[%parallel_loop3A_265, %parallel_loop3A_266] {strides = array<i32>} : memref<237x64xi32, #tpu.memory_space<vmem>>, vector<16xi32>,
          %parallel_loop3A_268 = vector.bitcast %parallel_loop3A_267 : vector<16xi32> to vector<32xbf16>
          %parallel_loop3A_269 = arith.mulf %parallel_loop3A_260, %parallel_loop3A_264 : vector<32xbf16>
          %parallel_loop3A_270 = arith.mulf %parallel_loop3A_269, %parallel_loop3A_268 : vector<32xbf16>
          %parallel_loop3A_271 = tpu.unpack_subelements %parallel_loop3A_270, 0 {pack_format = #tpu.pack_format<interleaved>} : vector<32xbf16> -> vector<16xf32>
          %parallel_loop3A_272 = tpu.unpack_subelements %parallel_loop3A_270, 1 {pack_format = #tpu.pack_format<interleaved>} : vector<32xbf16> -> vector<16xf32>
          %parallel_loop3A_273 = arith.addf %parallel_loop3A_256, %parallel_loop3A_271 : vector<16xf32>
          %parallel_loop3A_274 = arith.addf %parallel_loop3A_273, %parallel_loop3A_272 : vector<16xf32>
          %parallel_loop3A_275 = arith.index_cast %parallel_loop3A_217 : i32 to index
          %parallel_loop3A_276 = arith.constant 48 : index
          %parallel_loop3A_277 = tpu.vector_load %arg23[%parallel_loop3A_275, %parallel_loop3A_276] {strides = array<i32>} : memref<128x64xi32, #tpu.memory_space<vmem>>, vector<16xi32>,
          %parallel_loop3A_278 = vector.bitcast %parallel_loop3A_277 : vector<16xi32> to vector<32xbf16>
          %parallel_loop3A_279 = arith.index_cast %parallel_loop3A_217 : i32 to index
          %parallel_loop3A_280 = arith.constant 48 : index
          %parallel_loop3A_281 = tpu.vector_load %arg26[%parallel_loop3A_279, %parallel_loop3A_280] {strides = array<i32>} : memref<128x64xi32, #tpu.memory_space<vmem>>, vector<16xi32>,
          %parallel_loop3A_282 = vector.bitcast %parallel_loop3A_281 : vector<16xi32> to vector<32xbf16>
          %parallel_loop3A_283 = arith.index_cast %parallel_loop3A_221 : i32 to index
          %parallel_loop3A_284 = arith.constant 48 : index
          %parallel_loop3A_285 = tpu.vector_load %arg8[%parallel_loop3A_283, %parallel_loop3A_284] {strides = array<i32>} : memref<237x64xi32, #tpu.memory_space<vmem>>, vector<16xi32>,
          %parallel_loop3A_286 = vector.bitcast %parallel_loop3A_285 : vector<16xi32> to vector<32xbf16>
          %parallel_loop3A_287 = arith.mulf %parallel_loop3A_278, %parallel_loop3A_282 : vector<32xbf16>
          %parallel_loop3A_288 = arith.mulf %parallel_loop3A_287, %parallel_loop3A_286 : vector<32xbf16>
          %parallel_loop3A_289 = tpu.unpack_subelements %parallel_loop3A_288, 0 {pack_format = #tpu.pack_format<interleaved>} : vector<32xbf16> -> vector<16xf32>
          %parallel_loop3A_290 = tpu.unpack_subelements %parallel_loop3A_288, 1 {pack_format = #tpu.pack_format<interleaved>} : vector<32xbf16> -> vector<16xf32>
          %parallel_loop3A_291 = arith.addf %parallel_loop3A_274, %parallel_loop3A_289 : vector<16xf32>
          %parallel_loop3A_292 = arith.addf %parallel_loop3A_291, %parallel_loop3A_290 : vector<16xf32>
          %parallel_loop3A_293 = arith.constant true
          %parallel_loop3A_294 = vector.broadcast %parallel_loop3A_293 : i1 to vector<16xi1>
          %parallel_loop3A_295 = tpu.scan <sum>, %parallel_loop3A_292 masked %parallel_loop3A_294 : vector<16xf32>, vector<16xi1> -> vector<16xf32>
          %parallel_loop3A_296 = arith.index_cast %parallel_loop3A_217 : i32 to index
          %parallel_loop3A_297 = tpu.vector_load %arg11[%parallel_loop3A_296] masked %eq3A_207 {strides = array<i32>} : memref<144xf32, #tpu.memory_space<vmem>>, vector<16xf32>, vector<16xi1>
          tpu.vector_store %arg11[%parallel_loop3A_296], %parallel_loop3A_295 masked %eq3A_207 {strides = array<i32>} : memref<144xf32, #tpu.memory_space<vmem>>, vector<16xf32>, vector<16xi1>
        } {sc.loop_unroll_factor = 2 : i64, sc.parallel_access}
        %mul3A_210 = arith.constant 128 : i32
        %mul3A_211 = arith.muli %add3A_182, %mul3A_210 : i32
        %dma_start3A = arith.constant 0 : i32
        %dma_start3A_212 = tpu.memref_slice %arg11[%dma_start3A] : memref<144xf32, #tpu.memory_space<vmem>> -> memref<128xf32, #tpu.memory_space<vmem>>
        %dma_start3A_213 = tpu.memref_slice %arg7[%mul3A_211] : memref<320000xf32, #tpu.memory_space<hbm>> -> memref<128xf32, #tpu.memory_space<hbm>>
        %dma_start3A_214 = tpu.memref_slice %arg7[%mul3A_211] : memref<320000xf32, #tpu.memory_space<hbm>> -> memref<128xf32, #tpu.memory_space<hbm>>
        %dma_start3A_215 = arith.constant 0 : i32
        %dma_start3A_216 = tpu.memref_slice %arg11[%dma_start3A_215] : memref<144xf32, #tpu.memory_space<vmem>> -> memref<128xf32, #tpu.memory_space<vmem>>
        tpu.enqueue_dma source(%dma_start3A_216 : memref<128xf32, #tpu.memory_space<vmem>>) target(%dma_start3A_214 : memref<128xf32, #tpu.memory_space<hbm>>) target_semaphore(%arg38 : memref<!tpu.dma_semaphore, #tpu.memory_space<semaphore_mem>>)
      } else {
      }
    }
    %scan3A_23 = arith.constant 27 : i32
    %add3A_24 = arith.constant 2592 : i32
    %add3A_25 = arith.addi %add3A, %add3A_24 : i32
    %sub3A = arith.constant 96 : i32
    %sub3A_26 = arith.subi %add3A_25, %sub3A : i32
    %ge3A = arith.constant 0 : i32
    %ge3A_27 = arith.cmpi sge, %sub3A_26, %ge3A : i32
    %lt3A_28 = arith.constant 2500 : i32
    %lt3A_29 = arith.cmpi slt, %sub3A_26, %lt3A_28 : i32
    %and3A = arith.andi %ge3A_27, %lt3A_29 : i1
    %convert_element_type3A_30 = arith.extui %and3A : i1 to i32
    %cond3A_31 = arith.constant 0 : i32
    %cond3A_32 = arith.cmpi ne, %convert_element_type3A_30, %cond3A_31 : i32
    scf.if %cond3A_32 {
      %mul3A_57 = arith.constant 128 : i32
      %mul3A_58 = arith.muli %sub3A_26, %mul3A_57 : i32
      %dma_wait3A = arith.constant 0 : i32
      %dma_wait3A_59 = tpu.memref_slice %arg9[%dma_wait3A] : memref<144xf32, #tpu.memory_space<vmem>> -> memref<128xf32, #tpu.memory_space<vmem>>
      %dma_wait3A_60 = tpu.memref_slice %arg7[%mul3A_58] : memref<320000xf32, #tpu.memory_space<hbm>> -> memref<128xf32, #tpu.memory_space<hbm>>
      %dma_wait3A_61 = tpu.memref_slice %arg7[%mul3A_58] : memref<320000xf32, #tpu.memory_space<hbm>> -> memref<128xf32, #tpu.memory_space<hbm>>
      %dma_wait3A_62 = arith.constant 0 : i32
      %dma_wait3A_63 = tpu.memref_slice %arg9[%dma_wait3A_62] : memref<144xf32, #tpu.memory_space<vmem>> -> memref<128xf32, #tpu.memory_space<vmem>>
      tpu.wait_dma2 semaphore(%arg36 : memref<!tpu.dma_semaphore, #tpu.memory_space<semaphore_mem>>) src(%dma_wait3A_63 : memref<128xf32, #tpu.memory_space<vmem>>) dst(%dma_wait3A_61 : memref<128xf32, #tpu.memory_space<hbm>>)
    } else {
    }
    %add3A_33 = arith.constant 2624 : i32
    %add3A_34 = arith.addi %add3A, %add3A_33 : i32
    %sub3A_35 = arith.constant 96 : i32
    %sub3A_36 = arith.subi %add3A_34, %sub3A_35 : i32
    %ge3A_37 = arith.constant 0 : i32
    %ge3A_38 = arith.cmpi sge, %sub3A_36, %ge3A_37 : i32
    %lt3A_39 = arith.constant 2500 : i32
    %lt3A_40 = arith.cmpi slt, %sub3A_36, %lt3A_39 : i32
    %and3A_41 = arith.andi %ge3A_38, %lt3A_40 : i1
    %convert_element_type3A_42 = arith.extui %and3A_41 : i1 to i32
    %cond3A_43 = arith.constant 0 : i32
    %cond3A_44 = arith.cmpi ne, %convert_element_type3A_42, %cond3A_43 : i32
    scf.if %cond3A_44 {
      %mul3A_57 = arith.constant 128 : i32
      %mul3A_58 = arith.muli %sub3A_36, %mul3A_57 : i32
      %dma_wait3A = arith.constant 0 : i32
      %dma_wait3A_59 = tpu.memref_slice %arg10[%dma_wait3A] : memref<144xf32, #tpu.memory_space<vmem>> -> memref<128xf32, #tpu.memory_space<vmem>>
      %dma_wait3A_60 = tpu.memref_slice %arg7[%mul3A_58] : memref<320000xf32, #tpu.memory_space<hbm>> -> memref<128xf32, #tpu.memory_space<hbm>>
      %dma_wait3A_61 = tpu.memref_slice %arg7[%mul3A_58] : memref<320000xf32, #tpu.memory_space<hbm>> -> memref<128xf32, #tpu.memory_space<hbm>>
      %dma_wait3A_62 = arith.constant 0 : i32
      %dma_wait3A_63 = tpu.memref_slice %arg10[%dma_wait3A_62] : memref<144xf32, #tpu.memory_space<vmem>> -> memref<128xf32, #tpu.memory_space<vmem>>
      tpu.wait_dma2 semaphore(%arg37 : memref<!tpu.dma_semaphore, #tpu.memory_space<semaphore_mem>>) src(%dma_wait3A_63 : memref<128xf32, #tpu.memory_space<vmem>>) dst(%dma_wait3A_61 : memref<128xf32, #tpu.memory_space<hbm>>)
    } else {
    }
    %add3A_45 = arith.constant 2656 : i32
    %add3A_46 = arith.addi %add3A, %add3A_45 : i32
    %sub3A_47 = arith.constant 96 : i32
    %sub3A_48 = arith.subi %add3A_46, %sub3A_47 : i32
    %ge3A_49 = arith.constant 0 : i32
    %ge3A_50 = arith.cmpi sge, %sub3A_48, %ge3A_49 : i32
    %lt3A_51 = arith.constant 2500 : i32
    %lt3A_52 = arith.cmpi slt, %sub3A_48, %lt3A_51 : i32
    %and3A_53 = arith.andi %ge3A_50, %lt3A_52 : i1
    %convert_element_type3A_54 = arith.extui %and3A_53 : i1 to i32
    %cond3A_55 = arith.constant 0 : i32
    %cond3A_56 = arith.cmpi ne, %convert_element_type3A_54, %cond3A_55 : i32
    scf.if %cond3A_56 {
      %mul3A_57 = arith.constant 128 : i32
      %mul3A_58 = arith.muli %sub3A_48, %mul3A_57 : i32
      %dma_wait3A = arith.constant 0 : i32
      %dma_wait3A_59 = tpu.memref_slice %arg11[%dma_wait3A] : memref<144xf32, #tpu.memory_space<vmem>> -> memref<128xf32, #tpu.memory_space<vmem>>
      %dma_wait3A_60 = tpu.memref_slice %arg7[%mul3A_58] : memref<320000xf32, #tpu.memory_space<hbm>> -> memref<128xf32, #tpu.memory_space<hbm>>
      %dma_wait3A_61 = tpu.memref_slice %arg7[%mul3A_58] : memref<320000xf32, #tpu.memory_space<hbm>> -> memref<128xf32, #tpu.memory_space<hbm>>
      %dma_wait3A_62 = arith.constant 0 : i32
      %dma_wait3A_63 = tpu.memref_slice %arg11[%dma_wait3A_62] : memref<144xf32, #tpu.memory_space<vmem>> -> memref<128xf32, #tpu.memory_space<vmem>>
      tpu.wait_dma2 semaphore(%arg38 : memref<!tpu.dma_semaphore, #tpu.memory_space<semaphore_mem>>) src(%dma_wait3A_63 : memref<128xf32, #tpu.memory_space<vmem>>) dst(%dma_wait3A_61 : memref<128xf32, #tpu.memory_space<hbm>>)
    } else {
    }
    return
  }
}

</mosaic_0001>

<sc_bundles>
// kernel: kernel.3.cloned.1.call-start
scs
__scs_entry_jumppad:
0x0: {  	(pc) =	sbr.rel $0x88, $3  }
0x1: {  	(tag) =	ssettag $0x0;
	lr =	simm.s32 $0x1  }
0x2: {  	[smem:$0x3F9D] =	sst lr;
	_ =	strace $0xD0000000  }
0x3: {  	_ = 	snop  }
0x4: {  	_ = 	snop  }
0x5: {  	_ = 	snop  }
0x6: {  	_ = 	snop  }
0x7: {  	_ = 	snop  }
__scs_overlays_trampoline_lowered:
0x8: {  	[smem:$0x3FAC] =	sst s0  }
0x9: {  	[smem:$0x3FAD] =	sst s1  }
0xa: {  	[smem:$0x3FAE] =	sst s2  }
0xb: {  	[smem:$0x3FAF] =	sst s3  }
0xc: {  	[smem:$0x3FB0] =	sst s4  }
0xd: {  	[smem:$0x3FB1] =	sst s5  }
0xe: {  	[smem:$0x3FB2] =	sst s6  }
0xf: {  	[smem:$0x3FB3] =	sst s7  }
0x10: {  	[smem:$0x3FB4] =	sst s8  }
0x11: {  	[smem:$0x3FB5] =	sst s9;
	s0 =	simm.s32 @!p0 $0x0  }
0x12: {  	s1 =	sld [smem:$0x3F9B];
	s0 =	simm.s32 @p0 $0x1  }
0x13: {  	[smem:$0x3FB6] =	sst s0;
	s0 =	simm.s32 @!p1 $0x0  }
0x14: {  	s2 =	sld [smem:$0x3F9A];
	s0 =	simm.s32 @p1 $0x1  }
0x15: {  	[smem:$0x3FB7] =	sst s0;
	s0 =	simm.s32 @!p2 $0x0  }
0x16: {  	s3 =	sld [smem:$0x3FDB];
	s0 =	simm.s32 @p2 $0x1  }
0x17: {  	s4 =	simm.s32 $0x1BF5;
	[smem:$0x3FB9] =	sst s0  }
0x18: {  	s0 =	sld [smem:$0x3F9C];
	_ =	swait.ge [sflag:s4], $0x0  }
0x19: {  	s7 =	sld [smem:$0x3F9D]  }
0x1a: {  	s8 =	sadd.s32 $0xFFFFE003, lr  }
0x1b: {  	s9 =	sadd.s32 $0xFFFFFEF7, lr;
	s5 =	simm.s32 $0xFFFFFFFF;
	p2 =	slt.u32 s8, $0xFFFFF086  }
0x1c: {  	p1 =	slt.u32 s9, $0xF7A;
	s5 =	simm.s32 @!p2 $0x0  }
0x1d: {  	s5 =	simm.s32 @p1 $0x1;
	p0 =	seq.s32 s7, s2  }
0x1e: {  	s7 =	smul.u32 @!p0 $0xF7A, s2;
	p2 =	seq.s32 @!p0 s5, $0x0  }
0x1f: {  	s9 =	smul.u32 $0xF7A, s1;
	s8 =	simm.s32 @!p0 $0x1BF5;
	p2 =	por !p2, p0  }
0x20: {  	[sflag:s8] =	ssyncset.s32 @!p0 $0xFFFFF086;
	s6 =	sadd.s32 @!p0 s3, s7;
	s7 =	simm.s32 @!p0 $0x108  }
0x21: {  	s3 =	sadd.s32 s3, s9;
	s6 =	sadd.s32 @!p0 $0x88, s6;
	s7 =	simm.s32 @p2 $0x1082  }
0x22: {  	[simem:s7], [sflag:s8] =	dma.local @!p0 [hbm:s6], $0xF7A  }
0x23: {  	s9 =	sor.u32 $0xD0000000, s2;
	s6 =	simm.s32 $0x108;
	_ =	swait.ge @!p0 [sflag:s8], $0x0  }
0x24: {  	s3 =	sadd.s32 $0x88, s3;
	s6 =	simm.s32 @!p1 $0x1082;
	[sflag:s4] =	ssyncset.s32 $0xFFFFF086  }
0x25: {  	[simem:s6], [sflag:s4] =	dma.local [hbm:s3], $0xF7A  }
0x26: {  	[smem:$0x3F9D] =	sst s1;
	(tag) =	ssettag s2;
	_ =	strace s9  }
0x27: {  	s1 =	sld [smem:$0x3FAD]  }
0x28: {  	s2 =	sld [smem:$0x3FAE]  }
0x29: {  	s4 =	sld [smem:$0x3FB0]  }
0x2a: {  	p0 =	seq.s32 s5, $0x0;
	s5 =	sld [smem:$0x3FB1]  }
0x2b: {  	s6 =	sld [smem:$0x3FB2]  }
0x2c: {  	s7 =	sld [smem:$0x3FB3]  }
0x2d: {  	s3 =	simm.s32 $0x108;
	s8 =	sld [smem:$0x3FB4]  }
0x2e: {  	s3 =	simm.s32 @!p0 $0x1082;
	s9 =	sld [smem:$0x3FB5]  }
0x2f: {  	lr =	sadd.s32 s0, s3;
	s0 =	sld [smem:$0x3FAC]  }
0x30: {  	s3 =	sld [smem:$0x3FAF]  }
0x31: {  	[smem:$0x3FB8] =	sst s10  }
0x32: {  	s10 =	sld [smem:$0x3FB6];
	_ =	sdelay $0x3  }
0x33: {  	p0 =	seq.s32 s10, $0x1;
	s10 =	sld [smem:$0x3FB8];
	_ =	sdelay $0x3  }
0x34: {  	[smem:$0x3FB8] =	sst s10  }
0x35: {  	s10 =	sld [smem:$0x3FB7];
	_ =	sdelay $0x3  }
0x36: {  	p1 =	seq.s32 s10, $0x1;
	s10 =	sld [smem:$0x3FB8];
	_ =	sdelay $0x3  }
0x37: {  	[smem:$0x3FB8] =	sst s10  }
0x38: {  	s10 =	sld [smem:$0x3FB9]  }
0x39: {  	_ = 	snop;
	(pc) =	sbr.ind lr, $3  }
0x3a: {  	_ = 	snop  }
0x3b: {  	_ = 	snop  }
0x3c: {  	p2 =	seq.s32 s10, $0x1;
	s10 =	sld [smem:$0x3FB8]  }
0x3d: {  	_ =	shalt  }
0x3e: {  	_ =	shalt  }
0x3f: {  	_ =	shalt  }
0x40: {  	_ =	shalt  }
0x41: {  	_ =	shalt  }
0x42: {  	_ =	shalt  }
0x43: {  	_ =	shalt  }
0x44: {  	_ =	shalt  }
0x45: {  	_ =	shalt  }
0x46: {  	_ =	shalt  }
0x47: {  	_ =	shalt  }
0x48: {  	_ =	shalt  }
0x49: {  	_ =	shalt  }
0x4a: {  	_ =	shalt  }
0x4b: {  	_ =	shalt  }
0x4c: {  	_ =	shalt  }
0x4d: {  	_ =	shalt  }
0x4e: {  	_ =	shalt  }
0x4f: {  	_ =	shalt  }
0x50: {  	_ =	shalt  }
0x51: {  	_ =	shalt  }
0x52: {  	_ =	shalt  }
0x53: {  	_ =	shalt  }
0x54: {  	_ =	shalt  }
0x55: {  	_ =	shalt  }
0x56: {  	_ =	shalt  }
0x57: {  	_ =	shalt  }
0x58: {  	_ =	shalt  }
0x59: {  	_ =	shalt  }
0x5a: {  	_ =	shalt  }
0x5b: {  	_ =	shalt  }
0x5c: {  	_ =	shalt  }
0x5d: {  	_ =	shalt  }
0x5e: {  	_ =	shalt  }
0x5f: {  	_ =	shalt  }
0x60: {  	_ =	shalt  }
0x61: {  	_ =	shalt  }
0x62: {  	_ =	shalt  }
0x63: {  	_ =	shalt  }
0x64: {  	_ =	shalt  }
0x65: {  	_ =	shalt  }
0x66: {  	_ =	shalt  }
0x67: {  	_ =	shalt  }
0x68: {  	_ =	shalt  }
0x69: {  	_ =	shalt  }
0x6a: {  	_ =	shalt  }
0x6b: {  	_ =	shalt  }
0x6c: {  	_ =	shalt  }
0x6d: {  	_ =	shalt  }
0x6e: {  	_ =	shalt  }
0x6f: {  	_ =	shalt  }
0x70: {  	_ =	shalt  }
0x71: {  	_ =	shalt  }
0x72: {  	_ =	shalt  }
0x73: {  	_ =	shalt  }
0x74: {  	_ =	shalt  }
0x75: {  	_ =	shalt  }
0x76: {  	_ =	shalt  }
0x77: {  	_ =	shalt  }
0x78: {  	_ =	shalt  }
0x79: {  	_ =	shalt  }
0x7a: {  	_ =	shalt  }
0x7b: {  	_ =	shalt  }
0x7c: {  	_ =	shalt  }
0x7d: {  	_ =	shalt  }
0x7e: {  	_ =	shalt  }
0x7f: {  	_ =	shalt  }
0x80: {  	_ =	shalt  }
0x81: {  	_ =	shalt  }
0x82: {  	_ =	shalt  }
0x83: {  	_ =	shalt  }
0x84: {  	_ =	shalt  }
0x85: {  	_ =	shalt  }
0x86: {  	_ =	shalt  }
0x87: {  	_ =	shalt  }
.Lfunc_end0:
.L_simem_size_0:
called_computation_lowered:
.L_overlay_start_0:
0x88: {  	s2 =	sld [smem:$0x3FD9]  }
0x89: {  	s3 =	sld [smem:$0x3FFE];
	_ =	sdelay $0x1  }
0x8a: {  	s1 =	srdreg.scid  }
0x8b: {  	s0 =	sand.u32 $0x1, s1  }
0x8c: {  	s17 =	sshll.u32 s0, $0xA;
	s2 =	sadd.s32 s3, s2  }
0x8d: {  	s2 =	sadd.s32 s2, s17  }
0x8e: {  	[smem:$0x3FC4] =	sst s2  }
0x8f: {  	_ = 	snop  }
0x90: {  	s2 =	sld [smem:$0x3FC7]  }
0x91: {  	s18 =	sld [smem:$0x3FD0];
	(tm) =	ssettm $0x1  }
0x92: {  	s4 =	sld [smem:$0x3FFB];
	_ =	sdelay $0x3  }
0x93: {  	_ =	strace s4  }
0x94: {  	s4 =	sld [smem:$0x3FFC];
	_ =	sdelay $0x3  }
0x95: {  	_ =	strace s4  }
0x96: {  	s4 =	sld [smem:$0x3FFD];
	_ =	sdelay $0x3  }
0x97: {  	_ =	strace s4  }
0x98: {  	_ =	strace $0x8FFFFFFF  }
0x99: {  	s19 =	sld [smem:$0x3FDB];
	_ =	sdelay $0x1  }
0x9a: {  	s5 =	simm.s32 $_scs_section_size  }
0x9b: {  	s6 =	simm.s32 $_size__tile_overlayer_lowered;
	s7 =	simm.s32 $_tile_overlayer_lowered  }
0x9c: {  	s22 =	simm.s32 $0x1BFF;
	s21 =	sshll.u32 s7, $0x1;
	s4 =	sadd.s32 s5, s19  }
0x9d: {  	s8 =	simm.s32 $0x0;
	s20 =	sshll.u32 s6, $0x1;
	s6 =	sadd.s32 s21, s4  }
0x9e: {  	[timem:s8], [sflag:s22] =	dma.local [hbm:s6], s20  }
0x9f: {  	_ =	swait.ge [sflag:s22], s20  }
0xa0: {  	s5 =	ssub.s32 $0x0, s20;
	[sflag:s22] =	ssyncset.done $0x0  }
0xa1: {  	[sflag:s22] =	ssyncadd.s32 s5;
	_ =	sdelay $0x1  }
0xa2: {  	s23 =	simm.s32 $0x1B8B  }
0xa3: {  	_ =	swait.ge [sflag:s23], $0x1  }
0xa4: {  	[sflag:s23] =	ssyncset.done $0x0  }
0xa5: {  	s25 =	simm.s32 $0x1B8E;
	s24 =	sld [smem:$0x3FFE];
	[sflag:s23] =	ssyncadd.s32 $0xFFFFFFFF  }
0xa6: {  	s26 =	simm.s32 $execute0_lowered;
	[smem:$0x3FD2] =	sst s25  }
0xa7: {  	s6 =	sshll.u32 s26, $0x1;
	_ =	strace $0x80000046;
	[dreg:$0x1] =	wrdreg $0xFFFFFFFF  }
0xa8: {  	s28 =	simm.s32 $_size_execute0_lowered;
	s4 =	sadd.s32 s4, s6;
	[dreg:$0x0] =	wrdreg $0x0  }
0xa9: {  	s6 =	sshll.u32 s28, $0x1;
	[dreg:$0x2] =	wrdreg s4  }
0xaa: {  	[dreg:$0x3] =	wrdreg s6  }
0xab: {  	[dreg:$0x4] =	wrdreg $0xC0  }
0xac: {  	_ =	task [dreg:s8], $0x5FFFF  }
0xad: {  	[dreg:$0x1] =	wrdreg $0xFFFFFFFF  }
0xae: {  	[dreg:$0x0] =	wrdreg $0x60  }
0xaf: {  	[dreg:$0x2] =	wrdreg s24  }
0xb0: {  	[dreg:$0x3] =	wrdreg s2  }
0xb1: {  	[dreg:$0x4] =	wrdreg s18  }
0xb2: {  	[dreg:$0x5] =	wrdreg $0x9  }
0xb3: {  	_ =	task.clear_ibuf [dreg:s8], $0x6FFFF;
	_ =	strace $0x90000046  }
0xb4: {  	s29 =	simm.s32 $0x9;
	_ =	strace $0x80000048  }
0xb5: {  	_ =	swait.ge [sflag:s29], $0x1  }
0xb6: {  	[sflag:s29] =	ssyncadd.s32 $0xFFFFFFFF  }
0xb7: {  	_ =	strace $0x90000048  }
0xb8: {  	_ =	sfence  }
0xb9: {  	s30 =	sld [smem:$0x0];
	_ =	sdelay $0x2  }
0xba: {  	s31 =	sshll.u32 s1, $0xD;
	s1 =	sshrl.u32 s1, $0x2  }
0xbb: {  	s3 =	sand.u32 $0x4000, s31;
	s1 =	sadd.s32 s1, s30  }
0xbc: {  	s0 =	sor.u32 s3, s0;
	s1 =	sshll.u32 s1, $0x11  }
0xbd: {  	s0 =	sor.u32 s1, s0  }
0xbe: {  	s0 =	sadd.s32 $0x8F2B, s0  }
0xbf: {  	[sflag:s0] =	ssyncadd.remote.s32 $0x1  }
0xc0: {  	_ =	sfence.sel $0xFFFF  }
0xc1: {  	[dreg:$0x0] =	wrdreg $0xFFFFFFFF;
	(pc) =	sbr.abs _section_cstart, $3  }
0xc2: {  	[dreg:$0x1] =	wrdreg $0xFFFFFFFF  }
0xc3: {  	_ =	task.clear_ibuf [dreg:s8], $0x2FFFF;
	_ =	strace $0x9FFFFFFF  }
0xc4: {  	(tm) =	ssettm $0x7FFFFFFF  }
0xc5: {  	_ =	shalt  }
tec
execute0_lowered:
.L_overlay_start_1:
0x0: {  	(tag) =	ssettag $0x1  }
0x1: {  	s1 =	rddreg [dreg:$0x0]  }
0x2: {  	s2 =	rddreg [dreg:$0x1]  }
0x3: {  	s3 =	rddreg [dreg:$0x2];
	s5 =	simm.s32 $0x0;
	s0 =	srdreg.scid  }
0x4: {  	s10 =	stileid.u32;
	s28 =	simm.s32 $0x8;
	s22 =	simm.s32 $0x9  }
0x5: {  	[smem:$0x7FF] =	sst s5;
	s0 =	sand.u32 $0x1, s0;
	s4 =	sshll.u32 s10, $0x1  }
0x6: {  	s6 =	sadd.s32 $0x1D800, s1;
	s8 =	sadd.s32 $0x13A00, s1;
	s11 =	sadd.s32 $0x27600, s1  }
0x7: {  	p0 =	sgt.u32 s10, $0x1;
	_ =	strace $0x80000047;
	s9 =	ssub.s32 $0x2, s0  }
0x8: {  	s7 =	sor.u32 s0, s4;
	[dreg:$0x4] =	wrdreg s11;
	s11 =	simm.s32 $0x0  }
0x9: {  	s24 =	sshrl.u32 s9, $0x1;
	s4 =	sshll.u32 s7, $0x4;
	s16 =	sor.u32 $0x40, s7  }
0xa: {  	s17 =	sor.u32 $0x20, s7;
	s18 =	sor.u32 $0x60, s7;
	s25 =	sadd.s32 s6, s4  }
0xb: {  	s19 =	sor.u32 $0x80, s7;
	s26 =	sadd.s32 s8, s4;
	[dreg:$0x5] =	wrdreg s25  }
0xc: {  	s29 =	sadd.s32 s2, s4;
	s4 =	sor.u32 $0x200, s4;
	[dreg:$0x6] =	wrdreg s26  }
.Ltmp0:
0xd: {  	[dreg:$0x7] =	wrdreg s29;
	s30 =	sadd.s32 s6, s4;
	(pc) =	sbr.rel .LBB2_1-.Ltmp0, $4  }
0xe: {  	s0 =	ssub.s32 s9, s24;
	s31 =	sadd.s32 s8, s4;
	[dreg:$0x8] =	wrdreg s30  }
0xf: {  	s24 =	simm.s32 $0x7;
	s4 =	sadd.s32 s2, s4;
	[dreg:$0x9] =	wrdreg s31  }
0x10: {  	s0 =	smax.u32 s0, $0x1;
	s26 =	simm.s32 $0x5;
	[dreg:$0xa] =	wrdreg s4  }
0x11: {  	vm0 =	vcmask $0x3F3C;
	[dreg:$0xb] =	wrdreg s0;
	s4 =	simm.s32 $0x4;
	s0 =	simm.s32 $0x6  }
.LBB2_15:
0x12: {  	s9 =	simm.s32 @!p0 $0xA  }
0x13: {  	_ =	swait.ge @!p0 [sflag:s9], $0x80  }
0x14: {  	s11 =	rddreg [dreg:$0xc]  }
0x15: {  	s10 =	rddreg [dreg:$0xb];
	s11 =	sadd.s32 $0x1, s11  }
0x16: {  	p1 =	sne.s32 s11, s10  }
.Ltmp1:
0x17: {  	_ = 	snop;
	(pc) =	sbr.rel @!p1 .LBB2_16-.Ltmp1, $3  }
0x18: {  	_ =	sdelay $0x1  }
0x19: {  	[sflag:s9] =	ssyncset.done @!p0 $0x0  }
0x1a: {  	[sflag:s9] =	ssyncadd.s32 @!p0 $0xFFFFFF80  }
.LBB2_1:
0x1b: {  	[dreg:$0xc] =	wrdreg s11  }
0x1c: {  	s9 =	rddreg [dreg:$0x4];
	s23 =	simm.s32 $0xD  }
0x1d: {  	[tilespmem:s5], [sflag:$0xD] =	stream.linear.gather [hbm4b:s9+s5], $0x3B40, $0x38;
	[tilespmem:$0x101A0] =	vst v63  }
0x1e: {  	_ =	swait.ge [sflag:s23], $0x3B40  }
0x1f: {  	[sflag:s23] =	ssyncset.done $0x0  }
0x20: {  	s10 =	simm.s32 $0x3CF0;
	s25 =	rddreg [dreg:$0x5];
	[sflag:s23] =	ssyncadd.s32 $0xFFFFC4C0  }
0x21: {  	[tilespmem:s10], [sflag:$0x1] =	stream.linear.gather [hbm4b:s25+s5], $0x80, $0x38;
	[tilespmem:$0x101A0] =	vst v63  }
0x22: {  	s11 =	simm.s32 $0x3E70;
	s29 =	rddreg [dreg:$0x6]  }
0x23: {  	[tilespmem:s11], [sflag:$0x1] =	stream.linear.gather [hbm4b:s29+s5], $0x80, $0x38;
	[tilespmem:$0x101A0] =	vst v63  }
0x24: {  	s12 =	simm.s32 $0x3FF0;
	s31 =	rddreg [dreg:$0x7]  }
0x25: {  	[tilespmem:s12], [sflag:$0x1] =	stream.linear.gather [hbm4b:s31+s5], $0x80, $0x38;
	[tilespmem:$0x101A0] =	vst v63  }
0x26: {  	s13 =	simm.s32 $0x3D70;
	s12 =	rddreg [dreg:$0x8]  }
0x27: {  	[tilespmem:s13], [sflag:$0x2] =	stream.linear.gather [hbm4b:s12+s5], $0x80, $0x38;
	[tilespmem:$0x101A0] =	vst v63  }
0x28: {  	s15 =	simm.s32 $0x3EF0;
	s14 =	rddreg [dreg:$0x9]  }
0x29: {  	[tilespmem:s15], [sflag:$0x2] =	stream.linear.gather [hbm4b:s14+s5], $0x80, $0x38;
	[tilespmem:$0x101A0] =	vst v63  }
0x2a: {  	s21 =	simm.s32 $0x4080;
	s20 =	rddreg [dreg:$0xa];
	s23 =	simm.s32 $0x1  }
0x2b: {  	[tilespmem:s21], [sflag:$0x2] =	stream.linear.gather [hbm4b:s20+s5], $0x80, $0x38;
	[tilespmem:$0x101A0] =	vst v63  }
0x2c: {  	_ =	swait.ge [sflag:s23], $0x80  }
0x2d: {  	[sflag:s23] =	ssyncset.done $0x0  }
0x2e: {  	[sflag:s23] =	ssyncadd.s32 $0xFFFFFF80  }
0x2f: {  	_ =	swait.ge [sflag:s23], $0x80  }
0x30: {  	[sflag:s23] =	ssyncset.done $0x0  }
0x31: {  	[sflag:s23] =	ssyncadd.s32 $0xFFFFFF80  }
0x32: {  	_ =	swait.ge [sflag:s23], $0x80  }
.Ltmp2:
0x33: {  	[sflag:s23] =	ssyncset.done $0x0;
	(pc) =	sbr.rel .LBB2_2-.Ltmp2, $4  }
0x34: {  	s25 =	simm.s32 $0x80;
	s29 =	simm.s32 $0x41A0;
	[sflag:s23] =	ssyncadd.s32 $0xFFFFFF80  }
0x35: {  	[tilespmem:s29], [sflag:$0x4] =	stream.indirect.gather [hbm4b:s1+s25], $0x40, s10, s25, $0xb8;
	[tilespmem:$0x101A0] =	vst v63  }
0x36: {  	s30 =	simm.s32 $0x0;
	s31 =	simm.s32 $0xA1A0  }
0x37: {  	[tilespmem:s31], [sflag:$0x7] =	stream.indirect.gather [hbm4b:s1+s25], $0x40, s11, s25, $0xb8;
	[tilespmem:$0x101A0] =	vst v63  }
.LBB2_14:
0x38: {  	s30 =	sadd.s32 $0x1, s30  }
0x39: {  	p1 =	sne.s32 s30, $0x1B  }
.Ltmp3:
0x3a: {  	_ = 	snop;
	(pc) =	sbr.rel @!p1 .LBB2_15-.Ltmp3, $1  }
0x3b: {  	_ =	sdelay $0x3  }
.LBB2_2:
0x3c: {  	s11 =	smul.u32 $0x60, s30;
	_ =	sdelay $0x1  }
0x3d: {  	s10 =	sadd.s32 s16, s11  }
0x3e: {  	p1 =	sgt.u32 s10, $0x9C3  }
0x3f: {  	s9 =	sshll.u32 @!p1 s10, $0x4  }
0x40: {  	s15 =	simm.s32 @!p1 $0x0;
	s13 =	simm.s32 @!p1 $0x3DF0;
	s12 =	sadd.s32 @!p1 s6, s9  }
0x41: {  	[tilespmem:s13], [sflag:$0x3] =	stream.linear.gather @!p1 [hbm4b:s12+s15], $0x80, $0x38;
	[tilespmem:$0x101A0] =	vst v63  }
0x42: {  	s14 =	simm.s32 @!p1 $0x3F70;
	s12 =	sadd.s32 @!p1 s8, s9  }
0x43: {  	[tilespmem:s14], [sflag:$0x3] =	stream.linear.gather @!p1 [hbm4b:s12+s15], $0x80, $0x38;
	[tilespmem:$0x101A0] =	vst v63  }
0x44: {  	s9 =	sadd.s32 @!p1 s2, s9;
	s12 =	simm.s32 @!p1 $0x4110  }
0x45: {  	[tilespmem:s12], [sflag:$0x3] =	stream.linear.gather @!p1 [hbm4b:s9+s15], $0x80, $0x38;
	[tilespmem:$0x101A0] =	vst v63  }
0x46: {  	s12 =	sadd.s32 s17, s11  }
0x47: {  	p2 =	sgt.u32 s12, $0x9C3  }
0x48: {  	s9 =	simm.s32 @!p2 $0x2  }
0x49: {  	_ =	swait.ge @!p2 [sflag:s9], $0x80  }
0x4a: {  	[sflag:s9] =	ssyncset.done @!p2 $0x0  }
0x4b: {  	[sflag:s9] =	ssyncadd.s32 @!p2 $0xFFFFFF80  }
0x4c: {  	_ =	swait.ge @!p2 [sflag:s9], $0x80  }
0x4d: {  	[sflag:s9] =	ssyncset.done @!p2 $0x0  }
0x4e: {  	[sflag:s9] =	ssyncadd.s32 @!p2 $0xFFFFFF80  }
0x4f: {  	_ =	swait.ge @!p2 [sflag:s9], $0x80  }
0x50: {  	s15 =	simm.s32 @!p2 $0x3D70;
	[sflag:s9] =	ssyncset.done @!p2 $0x0  }
0x51: {  	s20 =	simm.s32 @!p2 $0x61A0;
	[sflag:s9] =	ssyncadd.s32 @!p2 $0xFFFFFF80;
	s9 =	simm.s32 @!p2 $0x80  }
0x52: {  	[tilespmem:s20], [sflag:$0x5] =	stream.indirect.gather @!p2 [hbm4b:s1+s9], $0x40, s15, s9, $0xb8;
	[tilespmem:$0x101A0] =	vst v63  }
0x53: {  	s15 =	simm.s32 @!p2 $0x3EF0;
	s20 =	simm.s32 @!p2 $0xC1A0  }
0x54: {  	[tilespmem:s20], [sflag:$0x8] =	stream.indirect.gather @!p2 [hbm4b:s1+s9], $0x40, s15, s9, $0xb8;
	[tilespmem:$0x101A0] =	vst v63  }
0x55: {  	s15 =	sor.u32 s7, s11  }
0x56: {  	s31 =	sadd.s32 $0xFFFFFFA0, s15;
	p4 =	sgt.u32 s15, $0x9C3  }
.Ltmp4:
0x57: {  	p3 =	sgt.u32 s31, $0x9C3;
	(pc) =	sbr.rel @p4 .LBB2_6-.Ltmp4, $4  }
0x58: {  	s9 =	simm.s32 @!p3 $0xA  }
0x59: {  	_ =	swait.ge @!p3 [sflag:s9], $0x80  }
0x5a: {  	[sflag:s9] =	ssyncset.done @!p3 $0x0  }
0x5b: {  	[sflag:s9] =	ssyncadd.s32 @!p3 $0xFFFFFF80  }
0x5c: {  	_ =	swait.ge [sflag:s4], $0x2000  }
0x5d: {  	[sflag:s4] =	ssyncset.done $0x0  }
0x5e: {  	[sflag:s4] =	ssyncadd.s32 $0xFFFFE000  }
0x5f: {  	_ =	swait.ge [sflag:s24], $0x2000  }
0x60: {  	[sflag:s24] =	ssyncset.done $0x0  }
0x61: {  	s9 =	simm.s32 $0x3FF1;
	[sflag:s24] =	ssyncadd.s32 $0xFFFFE000  }
0x62: {  	v0 =	vld [tilespmem:s9+$0x0];
	_ =	sdelay $0x2  }
0x63: {  	s20 =	simm.s32 $0xA1E0  }
0x64: {  	v2 =	vld [tilespmem:s20+$0x0]  }
0x65: {  	v3 =	vld [tilespmem:s20+$0x10];
	(v2sf) =	vpush v0, $0x0  }
0x66: {  	s23 =	simm.s32 $0x3FF3;
	v0 =	vld [tilespmem:s9+$0xFFFFFFFF]  }
0x67: {  	v7 =	vld [tilespmem:s23+$0x0]  }
0x68: {  	v8 =	vld [tilespmem:s20+$0x20]  }
0x69: {  	v9 =	vld [tilespmem:s23+$0xFFFFFFFF]  }
0x6a: {  	v14 =	vld [tilespmem:s20+$0xFFFFFFC0]  }
0x6b: {  	v17 =	vld [tilespmem:s20+$0xFFFFFFD0];
	(v2sf) =	vpush v0, $0x0  }
0x6c: {  	v20 =	vld [tilespmem:s20+$0xFFFFFFE0];
	s9 =	simm.s32 $0x41E0  }
0x6d: {  	v1 =	vld [tilespmem:s9+$0x0]  }
0x6e: {  	v5 =	vld [tilespmem:s9+$0x20]  }
0x6f: {  	v11 =	vld [tilespmem:s9+$0x30]  }
0x70: {  	v12 =	vld [tilespmem:s9+$0xFFFFFFC0]  }
0x71: {  	v16 =	vld [tilespmem:s9+$0xFFFFFFD0]  }
0x72: {  	v19 =	vld [tilespmem:s9+$0xFFFFFFE0]  }
0x73: {  	v0 =	vld [tilespmem:s9+$0x10]  }
0x74: {  	v1 =	vmul.bf16 v2, v1;
	v2 =	vld [tilespmem:s9+$0xFFFFFFF0];
	s9 =	simm.s32 $0x4260;
	s21 =	spop (v2sf);
	(v2sf) =	vpush v7, $0x0  }
0x75: {  	v44 =	vld [tilespmem:s9+$0x10]  }
0x76: {  	v51 =	vld [tilespmem:s9+$0x20];
	s21 =	sshll.u32 s21, $0x8  }
0x77: {  	v7 =	vld [tilespmem:s20+$0x30];
	s21 =	sshra.s32 s21, $0x2  }
0x78: {  	v4 =	vld [tilespmem:s21+$0x0]  }
0x79: {  	v6 =	vld [tilespmem:s21+$0x10]  }
0x7a: {  	v10 =	vld [tilespmem:s21+$0x20];
	s25 =	spop (v2sf)  }
0x7b: {  	(v2sf) =	vpush v9, $0x0;
	v9 =	vld [tilespmem:s20+$0xFFFFFFF0];
	s20 =	simm.s32 $0xA260;
	s23 =	sshll.u32 s25, $0x8  }
0x7c: {  	v47 =	vld [tilespmem:s20+$0x0];
	s25 =	sshra.s32 s23, $0x2  }
0x7d: {  	v5 =	vmul.bf16 v8, v5;
	v15 =	vld [tilespmem:s25+$0x0]  }
0x7e: {  	v0 =	vmul.bf16 v3, v0;
	v8 =	vld [tilespmem:s20+$0x10];
	v1 =	vmul.bf16 v4, v1  }
0x7f: {  	v46 =	vmul.bf16 v17, v16;
	v18 =	vld [tilespmem:s25+$0x10];
	v4 =	vmul.bf16 v14, v12  }
0x80: {  	v54 =	vld [tilespmem:s20+$0x20];
	v0 =	vmul.bf16 v6, v0;
	v45 =	vunpack.i.u.bf16.f32 v1;
	v1 =	vunpack.i.l.bf16.f32 v1  }
0x81: {  	v21 =	vld [tilespmem:s25+$0x20];
	v5 =	vmul.bf16 v10, v5;
	v10 =	vmul.bf16 v20, v19;
	v1 =	vadd.f32 v1, v45  }
0x82: {  	v6 =	vld [tilespmem:s9+$0x0];
	v48 =	vunpack.i.l.bf16.f32 v0;
	v0 =	vunpack.i.u.bf16.f32 v0;
	v4 =	vmul.bf16 v15, v4  }
0x83: {  	v13 =	vld [tilespmem:s21+$0x30];
	v2 =	vmul.bf16 v9, v2;
	v8 =	vmul.bf16 v8, v44;
	v1 =	vadd.f32 v48, v1;
	s23 =	spop (v2sf)  }
0x84: {  	v3 =	vld [tilespmem:s25+$0x30];
	s25 =	simm.s32 $0x3FF5;
	v15 =	vmul.bf16 v18, v46;
	v49 =	vunpack.i.u.bf16.f32 v4;
	v4 =	vunpack.i.l.bf16.f32 v4;
	s21 =	sshll.u32 s23, $0x8  }
0x85: {  	v0 =	vadd.f32 v1, v0;
	v1 =	vmul.bf16 v7, v11;
	v7 =	vld [tilespmem:s25+$0x0];
	v4 =	vadd.f32 v4, v49;
	s21 =	sshra.s32 s21, $0x2  }
0x86: {  	v59 =	vmul.bf16 v54, v51;
	v10 =	vmul.bf16 v21, v10;
	v52 =	vunpack.i.l.bf16.f32 v15;
	v50 =	vld [tilespmem:s21+$0x0]  }
0x87: {  	v6 =	vmul.bf16 v47, v6;
	v11 =	vunpack.i.l.bf16.f32 v5;
	v53 =	vld [tilespmem:s21+$0x10];
	v4 =	vadd.f32 v52, v4  }
0x88: {  	v15 =	vunpack.i.u.bf16.f32 v15;
	v0 =	vadd.f32 v11, v0;
	v1 =	vmul.bf16 v13, v1  }
0x89: {  	v2 =	vmul.bf16 v3, v2;
	v5 =	vunpack.i.u.bf16.f32 v5;
	v11 =	vld [tilespmem:s25+$0xFFFFFFFF];
	v4 =	vadd.f32 v4, v15  }
0x8a: {  	v55 =	vunpack.i.l.bf16.f32 v10;
	v56 =	vld [tilespmem:s21+$0x20];
	v0 =	vadd.f32 v0, v5;
	v9 =	vunpack.i.l.bf16.f32 v1  }
0x8b: {  	v5 =	vld [tilespmem:s9+$0x30];
	(v2sf) =	vpush v7, $0x0;
	v4 =	vadd.f32 v55, v4;
	v6 =	vmul.bf16 v50, v6  }
0x8c: {  	v7 =	vld [tilespmem:s20+$0x30];
	v0 =	vadd.f32 v9, v0;
	v9 =	vunpack.i.u.bf16.f32 v10;
	v8 =	vmul.bf16 v53, v8  }
0x8d: {  	v10 =	vld [tilespmem:s9+$0xFFFFFFC0];
	v3 =	vadd.f32 v4, v9;
	v4 =	vunpack.i.u.bf16.f32 v6;
	v6 =	vunpack.i.l.bf16.f32 v6  }
0x8e: {  	v57 =	vunpack.i.l.bf16.f32 v2;
	s25 =	spop (v2sf);
	(v2sf) =	vpush v11, $0x0;
	v11 =	vld [tilespmem:s20+$0xFFFFFFC0];
	v4 =	vadd.f32 v6, v4  }
0x8f: {  	v60 =	vld [tilespmem:s9+$0xFFFFFFD0];
	v1 =	vunpack.i.u.bf16.f32 v1;
	s23 =	sshll.u32 s25, $0x8;
	v58 =	vunpack.i.l.bf16.f32 v8;
	v3 =	vadd.f32 v57, v3  }
0x90: {  	s25 =	sshra.s32 s23, $0x2;
	v0 =	vadd.f32 v0, v1;
	v1 =	vunpack.i.u.bf16.f32 v2;
	v9 =	vld [tilespmem:s21+$0x30];
	v2 =	vadd.f32 v58, v4  }
0x91: {  	v6 =	vld [tilespmem:s25+$0x0];
	v1 =	vadd.f32 v3, v1;
	v3 =	vunpack.i.u.bf16.f32 v8;
	v8 =	vmul.bf16 v56, v59  }
0x92: {  	(xrf2) =	vadd.scan.msk.f32 $0xffff, v0;
	v0 =	vadd.f32 v2, v3;
	v2 =	vld [tilespmem:s9+$0xFFFFFFE0]  }
0x93: {  	v5 =	vmul.bf16 v7, v5;
	(xrf2) =	vadd.scan.msk.f32 $0xffff, v1;
	v1 =	vunpack.i.l.bf16.f32 v8;
	v3 =	vmul.bf16 v11, v10;
	v10 =	vld [tilespmem:s20+$0xFFFFFFE0]  }
0x94: {  	v4 =	vld [tilespmem:s20+$0xFFFFFFD0];
	v0 =	vadd.f32 v1, v0  }
0x95: {  	v5 =	vmul.bf16 v9, v5;
	v7 =	vunpack.i.u.bf16.f32 v8  }
0x96: {  	v61 =	vld [tilespmem:s25+$0x10];
	v7 =	vadd.f32 v0, v7  }
0x97: {  	v11 =	vunpack.i.l.bf16.f32 v5;
	v1 =	vld [tilespmem:s25+$0x20]  }
0x98: {  	v10 =	vmul.bf16 v10, v2;
	v7 =	vadd.f32 v11, v7  }
0x99: {  	v8 =	vld [tilespmem:s20+$0xFFFFFFF0];
	v62 =	vunpack.i.u.bf16.f32 v5;
	v3 =	vmul.bf16 v6, v3;
	v4 =	vmul.bf16 v4, v60  }
0x9a: {  	v6 =	vld [tilespmem:s9+$0xFFFFFFF0];
	v7 =	vadd.f32 v7, v62  }
0x9b: {  	s29 =	simm.s32 $0xA2E0;
	v9 =	vld [tilespmem:s25+$0x30];
	v0 =	vunpack.i.u.bf16.f32 v3;
	v3 =	vunpack.i.l.bf16.f32 v3;
	v4 =	vmul.bf16 v61, v4  }
0x9c: {  	s21 =	simm.s32 $0x42E0;
	v5 =	vld [tilespmem:s29+$0x0];
	v3 =	vadd.f32 v3, v0;
	v1 =	vmul.bf16 v1, v10;
	v10, _, _ =	vpop (xrf2);
	(xrf2) =	vadd.scan.msk.f32 $0xffff, v7  }
0x9d: {  	v0 =	vld [tilespmem:s21+$0x10];
	s23 =	spop (v2sf);
	v11 =	vunpack.i.l.bf16.f32 v4  }
0x9e: {  	v2 =	vld [tilespmem:s21+$0x0];
	s9 =	sshll.u32 s23, $0x8;
	v3 =	vadd.f32 v11, v3  }
0x9f: {  	s20 =	simm.s32 $0x3B41;
	s23 =	sshra.s32 s9, $0x2;
	v63 =	vmul.bf16 v8, v6;
	v11 =	vunpack.i.u.bf16.f32 v4;
	v4 =	vld [tilespmem:s29+$0x10]  }
0xa0: {  	s25 =	spop (v2sf);
	v6 =	vld [tilespmem:s23+$0x0];
	v11 =	vadd.f32 v3, v11;
	[tilespmem:s20+$0x0] =	vst.msk vm0, v10;
	v8, _, _ =	vpop (xrf2)  }
0xa1: {  	s9 =	sshll.u32 s25, $0x8;
	v10 =	vunpack.i.l.bf16.f32 v1;
	v3 =	vld [tilespmem:s21+$0x20];
	[tilespmem:s20+$0xFFFFFFFF] =	vst.msk vm0, v8;
	v8 =	vunpack.i.u.bf16.f32 v1;
	v1 =	vmul.bf16 v9, v63  }
0xa2: {  	s31 =	simm.s32 $0x3FF7;
	s25 =	simm.s32 $0x4;
	s9 =	sshra.s32 s9, $0x2;
	v7 =	vld [tilespmem:s23+$0x10];
	v9 =	vadd.f32 v10, v11  }
.LBB2_4:
0xa3: {  	v10 =	vld [tilespmem:s31+$0x0];
	s25 =	sadd.s32 $0x2, s25;
	v2 =	vmul.bf16 v5, v2;
	v5 =	vunpack.i.u.bf16.f32 v1;
	v1 =	vunpack.i.l.bf16.f32 v1  }
0xa4: {  	p3 =	slt.u32 s25, $0x7E;
	v11 =	vld [tilespmem:s29+$0x20];
	v8 =	vadd.f32 v9, v8  }
0xa5: {  	v0 =	vmul.bf16 v4, v0;
	v9 =	vld [tilespmem:s31+$0xFFFFFFFF];
	v2 =	vmul.bf16 v6, v2  }
0xa6: {  	s20 =	sadd.s32 $0x2, s20;
	v4 =	vld [tilespmem:s23+$0x20];
	v1 =	vadd.f32 v1, v8;
	v6, _, _ =	vpop (xrf2)  }
0xa7: {  	v8 =	vunpack.i.u.bf16.f32 v2;
	v2 =	vunpack.i.l.bf16.f32 v2;
	v0 =	vmul.bf16 v7, v0;
	v7 =	vld [tilespmem:s21+$0x30];
	[tilespmem:s20+$0x0] =	vst.msk vm0, v6  }
0xa8: {  	(v2sf) =	vpush v10, $0x0;
	v2 =	vadd.f32 v2, v8;
	v6 =	vld [tilespmem:s29+$0x30]  }
0xa9: {  	v1 =	vadd.f32 v1, v5;
	v8 =	vld [tilespmem:s21+$0xFFFFFFC0];
	v10 =	vunpack.i.l.bf16.f32 v0;
	v3 =	vmul.bf16 v11, v3  }
0xaa: {  	(v2sf) =	vpush v9, $0x0;
	v2 =	vadd.f32 v10, v2;
	v5 =	vld [tilespmem:s23+$0x30]  }
0xab: {  	v0 =	vunpack.i.u.bf16.f32 v0;
	v9 =	vld [tilespmem:s29+$0xFFFFFFC0];
	v3 =	vmul.bf16 v4, v3;
	(xrf2) =	vadd.scan.msk.f32 $0xffff, v1  }
0xac: {  	v1 =	vld [tilespmem:s9+$0x0];
	v0 =	vadd.f32 v2, v0  }
0xad: {  	v2 =	vld [tilespmem:s21+$0xFFFFFFD0];
	v4 =	vunpack.i.l.bf16.f32 v3;
	v6 =	vmul.bf16 v6, v7  }
0xae: {  	v7 =	vld [tilespmem:s29+$0xFFFFFFD0];
	v0 =	vadd.f32 v4, v0  }
0xaf: {  	v3 =	vunpack.i.u.bf16.f32 v3;
	v4 =	vld [tilespmem:s9+$0x10];
	v5 =	vmul.bf16 v5, v6  }
0xb0: {  	v6 =	vmul.bf16 v9, v8;
	v8 =	vld [tilespmem:s21+$0xFFFFFFE0];
	v0 =	vadd.f32 v0, v3  }
0xb1: {  	v3 =	vld [tilespmem:s29+$0xFFFFFFE0];
	v9 =	vunpack.i.l.bf16.f32 v5  }
0xb2: {  	v1 =	vmul.bf16 v1, v6;
	v6 =	vld [tilespmem:s9+$0x20];
	v0 =	vadd.f32 v9, v0  }
0xb3: {  	v5 =	vunpack.i.u.bf16.f32 v5;
	v11 =	vmul.bf16 v7, v2;
	v7 =	vld [tilespmem:s21+$0xFFFFFFF0]  }
0xb4: {  	v9 =	vunpack.i.u.bf16.f32 v1;
	v1 =	vunpack.i.l.bf16.f32 v1;
	v10 =	vld [tilespmem:s29+$0xFFFFFFF0];
	v5 =	vadd.f32 v0, v5  }
0xb5: {  	s21 =	sadd.s32 $0x80, s21;
	v1 =	vadd.f32 v1, v9;
	v4 =	vmul.bf16 v4, v11;
	v9 =	vld [tilespmem:s9+$0x30];
	v2, _, _ =	vpop (xrf2)  }
0xb6: {  	v0 =	vld [tilespmem:s21+$0x10];
	v3 =	vmul.bf16 v3, v8;
	(xrf2) =	vadd.scan.msk.f32 $0xffff, v5;
	[tilespmem:s20+$0xFFFFFFFF] =	vst.msk vm0, v2  }
0xb7: {  	s29 =	sadd.s32 $0x80, s29;
	v2 =	vld [tilespmem:s21+$0x0];
	s9 =	spop (v2sf);
	v8 =	vunpack.i.u.bf16.f32 v4;
	v4 =	vunpack.i.l.bf16.f32 v4  }
.Ltmp5:
0xb8: {  	v5 =	vld [tilespmem:s29+$0x0];
	s9 =	sshll.u32 s9, $0x8;
	v1 =	vadd.f32 v4, v1;
	v3 =	vmul.bf16 v6, v3;
	(pc) =	sbr.rel @p3 .LBB2_4-.Ltmp5, $4  }
0xb9: {  	s23 =	sshra.s32 s9, $0x2;
	v4 =	vld [tilespmem:s29+$0x10];
	s9 =	spop (v2sf);
	v7 =	vmul.bf16 v10, v7  }
0xba: {  	s9 =	sshll.u32 s9, $0x8;
	v6 =	vld [tilespmem:s23+$0x0];
	v10 =	vadd.f32 v1, v8;
	v8 =	vunpack.i.u.bf16.f32 v3;
	v11 =	vunpack.i.l.bf16.f32 v3  }
0xbb: {  	s9 =	sshra.s32 s9, $0x2;
	v3 =	vld [tilespmem:s21+$0x20];
	v1 =	vmul.bf16 v9, v7  }
0xbc: {  	s31 =	sadd.s32 $0x2, s31;
	v7 =	vld [tilespmem:s23+$0x10];
	v9 =	vadd.f32 v11, v10  }
0xbd: {  	v10 =	vld [tilespmem:s29+$0x20]  }
0xbe: {  	v11 =	vld [tilespmem:s23+$0x20]  }
0xbf: {  	v13 =	vld [tilespmem:s21+$0xFFFFFFC0]  }
0xc0: {  	v14 =	vld [tilespmem:s29+$0xFFFFFFC0]  }
0xc1: {  	v15 =	vld [tilespmem:s9+$0x0]  }
0xc2: {  	v16 =	vld [tilespmem:s21+$0xFFFFFFD0]  }
0xc3: {  	v2 =	vmul.bf16 v5, v2;
	v34 =	vld [tilespmem:s29+$0xFFFFFFD0]  }
0xc4: {  	v12 =	vld [tilespmem:s21+$0x30]  }
0xc5: {  	v35 =	vld [tilespmem:s9+$0x10];
	v2 =	vmul.bf16 v6, v2  }
0xc6: {  	v37 =	vld [tilespmem:s21+$0xFFFFFFE0];
	v36 =	vmul.bf16 v14, v13  }
0xc7: {  	v39 =	vld [tilespmem:s29+$0xFFFFFFE0];
	v52 =	vunpack.i.l.bf16.f32 v1;
	v0 =	vmul.bf16 v4, v0;
	v38 =	vunpack.i.u.bf16.f32 v2  }
0xc8: {  	v17 =	vld [tilespmem:s29+$0x30];
	v2 =	vunpack.i.l.bf16.f32 v2;
	v5 =	vmul.bf16 v34, v16;
	v6 =	vmul.bf16 v15, v36  }
0xc9: {  	v42 =	vld [tilespmem:s9+$0x20];
	v8 =	vadd.f32 v9, v8;
	v0 =	vmul.bf16 v7, v0;
	v2 =	vadd.f32 v2, v38  }
0xca: {  	v43 =	vld [tilespmem:s21+$0xFFFFFFF0];
	v4 =	vmul.bf16 v35, v5;
	v44 =	vunpack.i.u.bf16.f32 v6;
	v6 =	vunpack.i.l.bf16.f32 v6  }
0xcb: {  	v45 =	vld [tilespmem:s29+$0xFFFFFFF0];
	v3 =	vmul.bf16 v10, v3;
	v41 =	vunpack.i.l.bf16.f32 v0;
	v5 =	vadd.f32 v6, v44  }
0xcc: {  	v40 =	vld [tilespmem:s23+$0x30];
	v7 =	vmul.bf16 v39, v37;
	v2 =	vadd.f32 v41, v2;
	v46 =	vunpack.i.l.bf16.f32 v4  }
0xcd: {  	v48 =	vld [tilespmem:s9+$0x30];
	v0 =	vunpack.i.u.bf16.f32 v0;
	v3 =	vmul.bf16 v11, v3;
	v5 =	vadd.f32 v46, v5  }
0xce: {  	v7 =	vmul.bf16 v42, v7;
	v0 =	vadd.f32 v2, v0;
	v4 =	vunpack.i.u.bf16.f32 v4  }
0xcf: {  	v47 =	vmul.bf16 v17, v12;
	v49 =	vunpack.i.l.bf16.f32 v3;
	v4 =	vadd.f32 v5, v4  }
0xd0: {  	v50 =	vmul.bf16 v45, v43;
	v51 =	vunpack.i.l.bf16.f32 v7;
	v0 =	vadd.f32 v49, v0  }
0xd1: {  	v2 =	vmul.bf16 v40, v47;
	v3 =	vunpack.i.u.bf16.f32 v3;
	v4 =	vadd.f32 v51, v4  }
0xd2: {  	v53 =	vunpack.i.u.bf16.f32 v7;
	v0 =	vadd.f32 v0, v3;
	v5 =	vmul.bf16 v48, v50  }
0xd3: {  	v54 =	vadd.f32 v52, v8;
	v55 =	vunpack.i.l.bf16.f32 v2;
	v3 =	vadd.f32 v4, v53  }
0xd4: {  	v56 =	vunpack.i.u.bf16.f32 v1;
	v0 =	vadd.f32 v55, v0;
	v57 =	vunpack.i.l.bf16.f32 v5  }
0xd5: {  	v1 =	vadd.f32 v54, v56;
	v2 =	vunpack.i.u.bf16.f32 v2;
	v3 =	vadd.f32 v57, v3  }
0xd6: {  	v58 =	vunpack.i.u.bf16.f32 v5;
	v0 =	vadd.f32 v0, v2  }
0xd7: {  	(xrf2) =	vadd.scan.msk.f32 $0xffff, v1;
	v59 =	vadd.f32 v3, v58  }
0xd8: {  	(xrf2) =	vadd.scan.msk.f32 $0xffff, v0  }
0xd9: {  	(xrf2) =	vadd.scan.msk.f32 $0xffff, v59;
	_ =	sdelay $0x6  }
0xda: {  	s25 =	sadd.s32 $0x2, s20;
	v60, _, _ =	vpop (xrf2)  }
0xdb: {  	[tilespmem:s25+$0x0] =	vst.msk vm0, v60;
	v61, _, _ =	vpop (xrf2)  }
0xdc: {  	s9 =	sadd.s32 $0x2, s25;
	[tilespmem:s25+$0xFFFFFFFF] =	vst.msk vm0, v61;
	v62, _, _ =	vpop (xrf2)  }
0xdd: {  	s15 =	sshll.u32 s15, $0x4;
	[tilespmem:s9+$0x0] =	vst.msk vm0, v62;
	v63, _, _ =	vpop (xrf2)  }
0xde: {  	s31 =	simm.s32 $0x3B40;
	s29 =	sadd.s32 s3, s15;
	[tilespmem:s9+$0xFFFFFFFF] =	vst.msk vm0, v63  }
0xdf: {  	[hbm4b:s29+s5] =	stream.linear.scatter [tilespmem:s31], [sflag:$0xA], $0x80, $0x38;
	[tilespmem:$0x101A0] =	vst v63  }
.LBB2_6:
0xe0: {  	s9 =	sadd.s32 s18, s11  }
0xe1: {  	p3 =	sgt.u32 s9, $0x9C3  }
0xe2: {  	s9 =	sshll.u32 @!p3 s9, $0x4  }
0xe3: {  	s21 =	simm.s32 @!p3 $0x0;
	s15 =	simm.s32 @!p3 $0x3CF0;
	s20 =	sadd.s32 @!p3 s6, s9  }
0xe4: {  	[tilespmem:s15], [sflag:$0x1] =	stream.linear.gather @!p3 [hbm4b:s20+s21], $0x80, $0x38;
	[tilespmem:$0x101A0] =	vst v63  }
0xe5: {  	s23 =	sadd.s32 @!p3 s8, s9;
	s20 =	simm.s32 @!p3 $0x3E70  }
0xe6: {  	[tilespmem:s20], [sflag:$0x1] =	stream.linear.gather @!p3 [hbm4b:s23+s21], $0x80, $0x38;
	[tilespmem:$0x101A0] =	vst v63  }
0xe7: {  	s9 =	sadd.s32 @!p3 s2, s9;
	s23 =	simm.s32 @!p3 $0x3FF0  }
0xe8: {  	[tilespmem:s23], [sflag:$0x1] =	stream.linear.gather @!p3 [hbm4b:s9+s21], $0x80, $0x38;
	[tilespmem:$0x101A0] =	vst v63  }
0xe9: {  	s9 =	simm.s32 @!p1 $0x3  }
0xea: {  	_ =	swait.ge @!p1 [sflag:s9], $0x80  }
0xeb: {  	[sflag:s9] =	ssyncset.done @!p1 $0x0  }
0xec: {  	[sflag:s9] =	ssyncadd.s32 @!p1 $0xFFFFFF80  }
0xed: {  	_ =	swait.ge @!p1 [sflag:s9], $0x80  }
0xee: {  	[sflag:s9] =	ssyncset.done @!p1 $0x0  }
0xef: {  	[sflag:s9] =	ssyncadd.s32 @!p1 $0xFFFFFF80  }
0xf0: {  	_ =	swait.ge @!p1 [sflag:s9], $0x80  }
0xf1: {  	[sflag:s9] =	ssyncset.done @!p1 $0x0  }
0xf2: {  	s21 =	simm.s32 @!p1 $0x81A0;
	[sflag:s9] =	ssyncadd.s32 @!p1 $0xFFFFFF80;
	s9 =	simm.s32 @!p1 $0x80  }
0xf3: {  	[tilespmem:s21], [sflag:$0x6] =	stream.indirect.gather @!p1 [hbm4b:s1+s9], $0x40, s13, s9, $0xb8;
	[tilespmem:$0x101A0] =	vst v63  }
0xf4: {  	s31 =	sadd.s32 $0xFFFFFFA0, s12;
	s13 =	simm.s32 @!p1 $0xE1A0  }
0xf5: {  	[tilespmem:s13], [sflag:$0x9] =	stream.indirect.gather @!p1 [hbm4b:s1+s9], $0x40, s14, s9, $0xb8;
	[tilespmem:$0x101A0] =	vst v63  }
.Ltmp6:
0xf6: {  	p4 =	sgt.u32 s31, $0x9C3;
	(pc) =	sbr.rel @p2 .LBB2_10-.Ltmp6, $4  }
0xf7: {  	s9 =	simm.s32 @!p4 $0xB  }
0xf8: {  	_ =	swait.ge @!p4 [sflag:s9], $0x80  }
0xf9: {  	[sflag:s9] =	ssyncset.done @!p4 $0x0  }
0xfa: {  	[sflag:s9] =	ssyncadd.s32 @!p4 $0xFFFFFF80  }
0xfb: {  	_ =	swait.ge [sflag:s26], $0x2000  }
0xfc: {  	[sflag:s26] =	ssyncset.done $0x0  }
0xfd: {  	[sflag:s26] =	ssyncadd.s32 $0xFFFFE000  }
0xfe: {  	_ =	swait.ge [sflag:s28], $0x2000  }
0xff: {  	[sflag:s28] =	ssyncset.done $0x0  }
0x100: {  	s9 =	simm.s32 $0x4081;
	[sflag:s28] =	ssyncadd.s32 $0xFFFFE000  }
0x101: {  	v0 =	vld [tilespmem:s9+$0x0];
	_ =	sdelay $0x2  }
0x102: {  	s25 =	simm.s32 $0x61E0  }
0x103: {  	s13 =	simm.s32 $0xC1E0;
	v1 =	vld [tilespmem:s25+$0x0]  }
0x104: {  	v2 =	vld [tilespmem:s13+$0x0];
	(v2sf) =	vpush v0, $0x0  }
0x105: {  	v0 =	vld [tilespmem:s9+$0xFFFFFFFF]  }
0x106: {  	v3 =	vld [tilespmem:s13+$0x10]  }
0x107: {  	s21 =	simm.s32 $0x4083;
	v5 =	vld [tilespmem:s25+$0x20]  }
0x108: {  	v7 =	vld [tilespmem:s21+$0x0]  }
0x109: {  	v8 =	vld [tilespmem:s13+$0x20]  }
0x10a: {  	v9 =	vld [tilespmem:s21+$0xFFFFFFFF];
	(v2sf) =	vpush v0, $0x0  }
0x10b: {  	v11 =	vld [tilespmem:s25+$0x30]  }
0x10c: {  	v12 =	vld [tilespmem:s25+$0xFFFFFFC0]  }
0x10d: {  	v14 =	vld [tilespmem:s13+$0xFFFFFFC0]  }
0x10e: {  	v16 =	vld [tilespmem:s25+$0xFFFFFFD0]  }
0x10f: {  	v17 =	vld [tilespmem:s13+$0xFFFFFFD0]  }
0x110: {  	v19 =	vld [tilespmem:s25+$0xFFFFFFE0]  }
0x111: {  	v20 =	vld [tilespmem:s13+$0xFFFFFFE0]  }
0x112: {  	v1 =	vmul.bf16 v2, v1;
	v2 =	vld [tilespmem:s25+$0xFFFFFFF0];
	s9 =	simm.s32 $0x6260  }
0x113: {  	v44 =	vld [tilespmem:s9+$0x10];
	s14 =	spop (v2sf);
	(v2sf) =	vpush v7, $0x0  }
0x114: {  	v51 =	vld [tilespmem:s9+$0x20]  }
0x115: {  	v0 =	vld [tilespmem:s25+$0x10];
	s14 =	sshll.u32 s14, $0x8  }
0x116: {  	v7 =	vld [tilespmem:s13+$0x30];
	s14 =	sshra.s32 s14, $0x2  }
0x117: {  	v4 =	vld [tilespmem:s14+$0x0]  }
0x118: {  	v6 =	vld [tilespmem:s14+$0x10]  }
0x119: {  	v10 =	vld [tilespmem:s14+$0x20];
	s31 =	spop (v2sf)  }
0x11a: {  	(v2sf) =	vpush v9, $0x0;
	v9 =	vld [tilespmem:s13+$0xFFFFFFF0];
	s13 =	simm.s32 $0xC260;
	s21 =	sshll.u32 s31, $0x8  }
0x11b: {  	v47 =	vld [tilespmem:s13+$0x0];
	s21 =	sshra.s32 s21, $0x2  }
0x11c: {  	v5 =	vmul.bf16 v8, v5;
	v15 =	vld [tilespmem:s21+$0x0]  }
0x11d: {  	v0 =	vmul.bf16 v3, v0;
	v8 =	vld [tilespmem:s13+$0x10];
	v1 =	vmul.bf16 v4, v1  }
0x11e: {  	v46 =	vmul.bf16 v17, v16;
	v18 =	vld [tilespmem:s21+$0x10];
	v4 =	vmul.bf16 v14, v12  }
0x11f: {  	v54 =	vld [tilespmem:s13+$0x20];
	v0 =	vmul.bf16 v6, v0;
	v45 =	vunpack.i.u.bf16.f32 v1;
	v1 =	vunpack.i.l.bf16.f32 v1  }
0x120: {  	v21 =	vld [tilespmem:s21+$0x20];
	v5 =	vmul.bf16 v10, v5;
	v10 =	vmul.bf16 v20, v19;
	v1 =	vadd.f32 v1, v45  }
0x121: {  	v6 =	vld [tilespmem:s9+$0x0];
	v48 =	vunpack.i.l.bf16.f32 v0;
	v0 =	vunpack.i.u.bf16.f32 v0;
	v4 =	vmul.bf16 v15, v4  }
0x122: {  	v13 =	vld [tilespmem:s14+$0x30];
	v2 =	vmul.bf16 v9, v2;
	v8 =	vmul.bf16 v8, v44;
	v1 =	vadd.f32 v48, v1;
	s23 =	spop (v2sf)  }
0x123: {  	s25 =	simm.s32 $0x4085;
	v3 =	vld [tilespmem:s21+$0x30];
	v15 =	vmul.bf16 v18, v46;
	v49 =	vunpack.i.u.bf16.f32 v4;
	v4 =	vunpack.i.l.bf16.f32 v4;
	s14 =	sshll.u32 s23, $0x8  }
0x124: {  	v0 =	vadd.f32 v1, v0;
	v1 =	vmul.bf16 v7, v11;
	v7 =	vld [tilespmem:s25+$0x0];
	v4 =	vadd.f32 v4, v49;
	s14 =	sshra.s32 s14, $0x2  }
0x125: {  	v59 =	vmul.bf16 v54, v51;
	v10 =	vmul.bf16 v21, v10;
	v52 =	vunpack.i.l.bf16.f32 v15;
	v50 =	vld [tilespmem:s14+$0x0]  }
0x126: {  	v6 =	vmul.bf16 v47, v6;
	v11 =	vunpack.i.l.bf16.f32 v5;
	v53 =	vld [tilespmem:s14+$0x10];
	v4 =	vadd.f32 v52, v4  }
0x127: {  	v15 =	vunpack.i.u.bf16.f32 v15;
	v0 =	vadd.f32 v11, v0;
	v1 =	vmul.bf16 v13, v1  }
0x128: {  	v2 =	vmul.bf16 v3, v2;
	v5 =	vunpack.i.u.bf16.f32 v5;
	v11 =	vld [tilespmem:s25+$0xFFFFFFFF];
	v4 =	vadd.f32 v4, v15  }
0x129: {  	v55 =	vunpack.i.l.bf16.f32 v10;
	v56 =	vld [tilespmem:s14+$0x20];
	v0 =	vadd.f32 v0, v5;
	v9 =	vunpack.i.l.bf16.f32 v1  }
0x12a: {  	v5 =	vld [tilespmem:s9+$0x30];
	(v2sf) =	vpush v7, $0x0;
	v4 =	vadd.f32 v55, v4;
	v6 =	vmul.bf16 v50, v6  }
0x12b: {  	v7 =	vld [tilespmem:s13+$0x30];
	v0 =	vadd.f32 v9, v0;
	v9 =	vunpack.i.u.bf16.f32 v10;
	v8 =	vmul.bf16 v53, v8  }
0x12c: {  	v10 =	vld [tilespmem:s9+$0xFFFFFFC0];
	v3 =	vadd.f32 v4, v9;
	v4 =	vunpack.i.u.bf16.f32 v6;
	v6 =	vunpack.i.l.bf16.f32 v6  }
0x12d: {  	v57 =	vunpack.i.l.bf16.f32 v2;
	s31 =	spop (v2sf);
	(v2sf) =	vpush v11, $0x0;
	v11 =	vld [tilespmem:s13+$0xFFFFFFC0];
	v4 =	vadd.f32 v6, v4  }
0x12e: {  	v60 =	vld [tilespmem:s9+$0xFFFFFFD0];
	v1 =	vunpack.i.u.bf16.f32 v1;
	s21 =	sshll.u32 s31, $0x8;
	v58 =	vunpack.i.l.bf16.f32 v8;
	v3 =	vadd.f32 v57, v3  }
0x12f: {  	s23 =	sshra.s32 s21, $0x2;
	v0 =	vadd.f32 v0, v1;
	v1 =	vunpack.i.u.bf16.f32 v2;
	v9 =	vld [tilespmem:s14+$0x30];
	v2 =	vadd.f32 v58, v4  }
0x130: {  	v6 =	vld [tilespmem:s23+$0x0];
	v1 =	vadd.f32 v3, v1;
	v3 =	vunpack.i.u.bf16.f32 v8;
	v8 =	vmul.bf16 v56, v59  }
0x131: {  	(xrf2) =	vadd.scan.msk.f32 $0xffff, v0;
	v0 =	vadd.f32 v2, v3;
	v2 =	vld [tilespmem:s9+$0xFFFFFFE0]  }
0x132: {  	v5 =	vmul.bf16 v7, v5;
	(xrf2) =	vadd.scan.msk.f32 $0xffff, v1;
	v1 =	vunpack.i.l.bf16.f32 v8;
	v3 =	vmul.bf16 v11, v10;
	v10 =	vld [tilespmem:s13+$0xFFFFFFE0]  }
0x133: {  	v4 =	vld [tilespmem:s13+$0xFFFFFFD0];
	v0 =	vadd.f32 v1, v0  }
0x134: {  	v5 =	vmul.bf16 v9, v5;
	v7 =	vunpack.i.u.bf16.f32 v8  }
0x135: {  	v61 =	vld [tilespmem:s23+$0x10];
	v7 =	vadd.f32 v0, v7  }
0x136: {  	v11 =	vunpack.i.l.bf16.f32 v5;
	v1 =	vld [tilespmem:s23+$0x20]  }
0x137: {  	v10 =	vmul.bf16 v10, v2;
	v7 =	vadd.f32 v11, v7  }
0x138: {  	v8 =	vld [tilespmem:s13+$0xFFFFFFF0];
	v62 =	vunpack.i.u.bf16.f32 v5;
	v3 =	vmul.bf16 v6, v3;
	v4 =	vmul.bf16 v4, v60  }
0x139: {  	v6 =	vld [tilespmem:s9+$0xFFFFFFF0];
	v7 =	vadd.f32 v7, v62  }
0x13a: {  	s21 =	simm.s32 $0xC2E0;
	v9 =	vld [tilespmem:s23+$0x30];
	v0 =	vunpack.i.u.bf16.f32 v3;
	v3 =	vunpack.i.l.bf16.f32 v3;
	v4 =	vmul.bf16 v61, v4  }
0x13b: {  	s14 =	simm.s32 $0x62E0;
	v5 =	vld [tilespmem:s21+$0x0];
	v3 =	vadd.f32 v3, v0;
	v1 =	vmul.bf16 v1, v10;
	v10, _, _ =	vpop (xrf2);
	(xrf2) =	vadd.scan.msk.f32 $0xffff, v7  }
0x13c: {  	v0 =	vld [tilespmem:s14+$0x10];
	s25 =	spop (v2sf);
	v11 =	vunpack.i.l.bf16.f32 v4  }
0x13d: {  	v2 =	vld [tilespmem:s14+$0x0];
	s9 =	sshll.u32 s25, $0x8;
	v3 =	vadd.f32 v11, v3  }
0x13e: {  	s13 =	simm.s32 $0x3BD1;
	s23 =	sshra.s32 s9, $0x2;
	v63 =	vmul.bf16 v8, v6;
	v11 =	vunpack.i.u.bf16.f32 v4;
	v4 =	vld [tilespmem:s21+$0x10]  }
0x13f: {  	s31 =	spop (v2sf);
	v6 =	vld [tilespmem:s23+$0x0];
	v11 =	vadd.f32 v3, v11;
	[tilespmem:s13+$0x0] =	vst.msk vm0, v10;
	v8, _, _ =	vpop (xrf2)  }
0x140: {  	s9 =	sshll.u32 s31, $0x8;
	v10 =	vunpack.i.l.bf16.f32 v1;
	v3 =	vld [tilespmem:s14+$0x20];
	[tilespmem:s13+$0xFFFFFFFF] =	vst.msk vm0, v8;
	v8 =	vunpack.i.u.bf16.f32 v1;
	v1 =	vmul.bf16 v9, v63  }
0x141: {  	s29 =	simm.s32 $0x4087;
	s25 =	simm.s32 $0x4;
	s9 =	sshra.s32 s9, $0x2;
	v7 =	vld [tilespmem:s23+$0x10];
	v9 =	vadd.f32 v10, v11  }
.LBB2_8:
0x142: {  	v10 =	vld [tilespmem:s29+$0x0];
	s25 =	sadd.s32 $0x2, s25;
	v2 =	vmul.bf16 v5, v2;
	v5 =	vunpack.i.u.bf16.f32 v1;
	v1 =	vunpack.i.l.bf16.f32 v1  }
0x143: {  	p2 =	slt.u32 s25, $0x7E;
	v11 =	vld [tilespmem:s21+$0x20];
	v8 =	vadd.f32 v9, v8  }
0x144: {  	v0 =	vmul.bf16 v4, v0;
	v9 =	vld [tilespmem:s29+$0xFFFFFFFF];
	v2 =	vmul.bf16 v6, v2  }
0x145: {  	s13 =	sadd.s32 $0x2, s13;
	v4 =	vld [tilespmem:s23+$0x20];
	v1 =	vadd.f32 v1, v8;
	v6, _, _ =	vpop (xrf2)  }
0x146: {  	v8 =	vunpack.i.u.bf16.f32 v2;
	v2 =	vunpack.i.l.bf16.f32 v2;
	v0 =	vmul.bf16 v7, v0;
	v7 =	vld [tilespmem:s14+$0x30];
	[tilespmem:s13+$0x0] =	vst.msk vm0, v6  }
0x147: {  	(v2sf) =	vpush v10, $0x0;
	v2 =	vadd.f32 v2, v8;
	v6 =	vld [tilespmem:s21+$0x30]  }
0x148: {  	v1 =	vadd.f32 v1, v5;
	v8 =	vld [tilespmem:s14+$0xFFFFFFC0];
	v10 =	vunpack.i.l.bf16.f32 v0;
	v3 =	vmul.bf16 v11, v3  }
0x149: {  	(v2sf) =	vpush v9, $0x0;
	v2 =	vadd.f32 v10, v2;
	v5 =	vld [tilespmem:s23+$0x30]  }
0x14a: {  	v0 =	vunpack.i.u.bf16.f32 v0;
	v9 =	vld [tilespmem:s21+$0xFFFFFFC0];
	v3 =	vmul.bf16 v4, v3;
	(xrf2) =	vadd.scan.msk.f32 $0xffff, v1  }
0x14b: {  	v1 =	vld [tilespmem:s9+$0x0];
	v0 =	vadd.f32 v2, v0  }
0x14c: {  	v2 =	vld [tilespmem:s14+$0xFFFFFFD0];
	v4 =	vunpack.i.l.bf16.f32 v3;
	v6 =	vmul.bf16 v6, v7  }
0x14d: {  	v7 =	vld [tilespmem:s21+$0xFFFFFFD0];
	v0 =	vadd.f32 v4, v0  }
0x14e: {  	v3 =	vunpack.i.u.bf16.f32 v3;
	v4 =	vld [tilespmem:s9+$0x10];
	v5 =	vmul.bf16 v5, v6  }
0x14f: {  	v6 =	vmul.bf16 v9, v8;
	v8 =	vld [tilespmem:s14+$0xFFFFFFE0];
	v0 =	vadd.f32 v0, v3  }
0x150: {  	v3 =	vld [tilespmem:s21+$0xFFFFFFE0];
	v9 =	vunpack.i.l.bf16.f32 v5  }
0x151: {  	v1 =	vmul.bf16 v1, v6;
	v6 =	vld [tilespmem:s9+$0x20];
	v0 =	vadd.f32 v9, v0  }
0x152: {  	v5 =	vunpack.i.u.bf16.f32 v5;
	v11 =	vmul.bf16 v7, v2;
	v7 =	vld [tilespmem:s14+$0xFFFFFFF0]  }
0x153: {  	v9 =	vunpack.i.u.bf16.f32 v1;
	v1 =	vunpack.i.l.bf16.f32 v1;
	v10 =	vld [tilespmem:s21+$0xFFFFFFF0];
	v5 =	vadd.f32 v0, v5  }
0x154: {  	s14 =	sadd.s32 $0x80, s14;
	v1 =	vadd.f32 v1, v9;
	v4 =	vmul.bf16 v4, v11;
	v9 =	vld [tilespmem:s9+$0x30];
	v2, _, _ =	vpop (xrf2)  }
0x155: {  	v0 =	vld [tilespmem:s14+$0x10];
	v3 =	vmul.bf16 v3, v8;
	(xrf2) =	vadd.scan.msk.f32 $0xffff, v5;
	[tilespmem:s13+$0xFFFFFFFF] =	vst.msk vm0, v2  }
0x156: {  	s21 =	sadd.s32 $0x80, s21;
	v2 =	vld [tilespmem:s14+$0x0];
	s9 =	spop (v2sf);
	v8 =	vunpack.i.u.bf16.f32 v4;
	v4 =	vunpack.i.l.bf16.f32 v4  }
.Ltmp7:
0x157: {  	v5 =	vld [tilespmem:s21+$0x0];
	s9 =	sshll.u32 s9, $0x8;
	v1 =	vadd.f32 v4, v1;
	v3 =	vmul.bf16 v6, v3;
	(pc) =	sbr.rel @p2 .LBB2_8-.Ltmp7, $4  }
0x158: {  	s23 =	sshra.s32 s9, $0x2;
	v4 =	vld [tilespmem:s21+$0x10];
	s9 =	spop (v2sf);
	v7 =	vmul.bf16 v10, v7  }
0x159: {  	s9 =	sshll.u32 s9, $0x8;
	v6 =	vld [tilespmem:s23+$0x0];
	v10 =	vadd.f32 v1, v8;
	v8 =	vunpack.i.u.bf16.f32 v3;
	v11 =	vunpack.i.l.bf16.f32 v3  }
0x15a: {  	s9 =	sshra.s32 s9, $0x2;
	v3 =	vld [tilespmem:s14+$0x20];
	v1 =	vmul.bf16 v9, v7  }
0x15b: {  	s29 =	sadd.s32 $0x2, s29;
	v7 =	vld [tilespmem:s23+$0x10];
	v9 =	vadd.f32 v11, v10  }
0x15c: {  	v10 =	vld [tilespmem:s21+$0x20]  }
0x15d: {  	v11 =	vld [tilespmem:s23+$0x20]  }
0x15e: {  	v13 =	vld [tilespmem:s14+$0xFFFFFFC0]  }
0x15f: {  	v14 =	vld [tilespmem:s21+$0xFFFFFFC0]  }
0x160: {  	v15 =	vld [tilespmem:s9+$0x0]  }
0x161: {  	v16 =	vld [tilespmem:s14+$0xFFFFFFD0]  }
0x162: {  	v2 =	vmul.bf16 v5, v2;
	v34 =	vld [tilespmem:s21+$0xFFFFFFD0]  }
0x163: {  	v12 =	vld [tilespmem:s14+$0x30]  }
0x164: {  	v35 =	vld [tilespmem:s9+$0x10];
	v2 =	vmul.bf16 v6, v2  }
0x165: {  	v37 =	vld [tilespmem:s14+$0xFFFFFFE0];
	v36 =	vmul.bf16 v14, v13  }
0x166: {  	v39 =	vld [tilespmem:s21+$0xFFFFFFE0];
	v52 =	vunpack.i.l.bf16.f32 v1;
	v0 =	vmul.bf16 v4, v0;
	v38 =	vunpack.i.u.bf16.f32 v2  }
0x167: {  	v17 =	vld [tilespmem:s21+$0x30];
	v2 =	vunpack.i.l.bf16.f32 v2;
	v5 =	vmul.bf16 v34, v16;
	v6 =	vmul.bf16 v15, v36  }
0x168: {  	v42 =	vld [tilespmem:s9+$0x20];
	v8 =	vadd.f32 v9, v8;
	v0 =	vmul.bf16 v7, v0;
	v2 =	vadd.f32 v2, v38  }
0x169: {  	v43 =	vld [tilespmem:s14+$0xFFFFFFF0];
	v4 =	vmul.bf16 v35, v5;
	v44 =	vunpack.i.u.bf16.f32 v6;
	v6 =	vunpack.i.l.bf16.f32 v6  }
0x16a: {  	v45 =	vld [tilespmem:s21+$0xFFFFFFF0];
	v3 =	vmul.bf16 v10, v3;
	v41 =	vunpack.i.l.bf16.f32 v0;
	v5 =	vadd.f32 v6, v44  }
0x16b: {  	v40 =	vld [tilespmem:s23+$0x30];
	v7 =	vmul.bf16 v39, v37;
	v2 =	vadd.f32 v41, v2;
	v46 =	vunpack.i.l.bf16.f32 v4  }
0x16c: {  	v48 =	vld [tilespmem:s9+$0x30];
	v0 =	vunpack.i.u.bf16.f32 v0;
	v3 =	vmul.bf16 v11, v3;
	v5 =	vadd.f32 v46, v5  }
0x16d: {  	v7 =	vmul.bf16 v42, v7;
	v0 =	vadd.f32 v2, v0;
	v4 =	vunpack.i.u.bf16.f32 v4  }
0x16e: {  	v47 =	vmul.bf16 v17, v12;
	v49 =	vunpack.i.l.bf16.f32 v3;
	v4 =	vadd.f32 v5, v4  }
0x16f: {  	v50 =	vmul.bf16 v45, v43;
	v51 =	vunpack.i.l.bf16.f32 v7;
	v0 =	vadd.f32 v49, v0  }
0x170: {  	v2 =	vmul.bf16 v40, v47;
	v3 =	vunpack.i.u.bf16.f32 v3;
	v4 =	vadd.f32 v51, v4  }
0x171: {  	v53 =	vunpack.i.u.bf16.f32 v7;
	v0 =	vadd.f32 v0, v3;
	v5 =	vmul.bf16 v48, v50  }
0x172: {  	v54 =	vadd.f32 v52, v8;
	v55 =	vunpack.i.l.bf16.f32 v2;
	v3 =	vadd.f32 v4, v53  }
0x173: {  	v56 =	vunpack.i.u.bf16.f32 v1;
	v0 =	vadd.f32 v55, v0;
	v57 =	vunpack.i.l.bf16.f32 v5  }
0x174: {  	v1 =	vadd.f32 v54, v56;
	v2 =	vunpack.i.u.bf16.f32 v2;
	v3 =	vadd.f32 v57, v3  }
0x175: {  	v58 =	vunpack.i.u.bf16.f32 v5;
	v0 =	vadd.f32 v0, v2  }
0x176: {  	(xrf2) =	vadd.scan.msk.f32 $0xffff, v1;
	v59 =	vadd.f32 v3, v58  }
0x177: {  	(xrf2) =	vadd.scan.msk.f32 $0xffff, v0  }
0x178: {  	(xrf2) =	vadd.scan.msk.f32 $0xffff, v59;
	_ =	sdelay $0x6  }
0x179: {  	s25 =	sadd.s32 $0x2, s13;
	v60, _, _ =	vpop (xrf2)  }
0x17a: {  	[tilespmem:s25+$0x0] =	vst.msk vm0, v60;
	v61, _, _ =	vpop (xrf2)  }
0x17b: {  	s9 =	sadd.s32 $0x2, s25;
	[tilespmem:s25+$0xFFFFFFFF] =	vst.msk vm0, v61;
	v62, _, _ =	vpop (xrf2)  }
0x17c: {  	s12 =	sshll.u32 s12, $0x4;
	[tilespmem:s9+$0x0] =	vst.msk vm0, v62;
	v63, _, _ =	vpop (xrf2)  }
0x17d: {  	s31 =	simm.s32 $0x3BD0;
	s29 =	sadd.s32 s3, s12;
	[tilespmem:s9+$0xFFFFFFFF] =	vst.msk vm0, v63  }
0x17e: {  	[hbm4b:s29+s5] =	stream.linear.scatter [tilespmem:s31], [sflag:$0xB], $0x80, $0x38;
	[tilespmem:$0x101A0] =	vst v63  }
.LBB2_10:
0x17f: {  	s9 =	sadd.s32 s19, s11  }
0x180: {  	p2 =	sgt.u32 s9, $0x9C3  }
0x181: {  	s9 =	sshll.u32 @!p2 s9, $0x4  }
0x182: {  	s12 =	simm.s32 @!p2 $0x0;
	s13 =	simm.s32 @!p2 $0x3D70;
	s11 =	sadd.s32 @!p2 s6, s9  }
0x183: {  	[tilespmem:s13], [sflag:$0x2] =	stream.linear.gather @!p2 [hbm4b:s11+s12], $0x80, $0x38;
	[tilespmem:$0x101A0] =	vst v63  }
0x184: {  	s11 =	sadd.s32 @!p2 s8, s9;
	s13 =	simm.s32 @!p2 $0x3EF0  }
0x185: {  	[tilespmem:s13], [sflag:$0x2] =	stream.linear.gather @!p2 [hbm4b:s11+s12], $0x80, $0x38;
	[tilespmem:$0x101A0] =	vst v63  }
0x186: {  	s9 =	sadd.s32 @!p2 s2, s9;
	s11 =	simm.s32 @!p2 $0x4080  }
0x187: {  	[tilespmem:s11], [sflag:$0x2] =	stream.linear.gather @!p2 [hbm4b:s9+s12], $0x80, $0x38;
	[tilespmem:$0x101A0] =	vst v63  }
0x188: {  	s9 =	simm.s32 @!p3 $0x1  }
0x189: {  	_ =	swait.ge @!p3 [sflag:s9], $0x80  }
0x18a: {  	[sflag:s9] =	ssyncset.done @!p3 $0x0  }
0x18b: {  	[sflag:s9] =	ssyncadd.s32 @!p3 $0xFFFFFF80  }
0x18c: {  	_ =	swait.ge @!p3 [sflag:s9], $0x80  }
0x18d: {  	[sflag:s9] =	ssyncset.done @!p3 $0x0  }
0x18e: {  	[sflag:s9] =	ssyncadd.s32 @!p3 $0xFFFFFF80  }
0x18f: {  	_ =	swait.ge @!p3 [sflag:s9], $0x80  }
0x190: {  	[sflag:s9] =	ssyncset.done @!p3 $0x0  }
0x191: {  	s11 =	simm.s32 @!p3 $0x41A0;
	[sflag:s9] =	ssyncadd.s32 @!p3 $0xFFFFFF80;
	s9 =	simm.s32 @!p3 $0x80  }
0x192: {  	[tilespmem:s11], [sflag:$0x4] =	stream.indirect.gather @!p3 [hbm4b:s1+s9], $0x40, s15, s9, $0xb8;
	[tilespmem:$0x101A0] =	vst v63  }
0x193: {  	s31 =	sadd.s32 $0xFFFFFFA0, s10;
	s11 =	simm.s32 @!p3 $0xA1A0  }
0x194: {  	[tilespmem:s11], [sflag:$0x7] =	stream.indirect.gather @!p3 [hbm4b:s1+s9], $0x40, s20, s9, $0xb8;
	[tilespmem:$0x101A0] =	vst v63  }
.Ltmp8:
0x195: {  	p2 =	sgt.u32 s31, $0x9C3;
	(pc) =	sbr.rel @p1 .LBB2_14-.Ltmp8, $4  }
0x196: {  	s9 =	simm.s32 @!p2 $0xC  }
0x197: {  	_ =	swait.ge @!p2 [sflag:s9], $0x80  }
0x198: {  	[sflag:s9] =	ssyncset.done @!p2 $0x0  }
0x199: {  	[sflag:s9] =	ssyncadd.s32 @!p2 $0xFFFFFF80  }
0x19a: {  	_ =	swait.ge [sflag:s0], $0x2000  }
0x19b: {  	[sflag:s0] =	ssyncset.done $0x0  }
0x19c: {  	[sflag:s0] =	ssyncadd.s32 $0xFFFFE000  }
0x19d: {  	_ =	swait.ge [sflag:s22], $0x2000  }
0x19e: {  	[sflag:s22] =	ssyncset.done $0x0  }
0x19f: {  	s9 =	simm.s32 $0x4111;
	[sflag:s22] =	ssyncadd.s32 $0xFFFFE000  }
0x1a0: {  	v0 =	vld [tilespmem:s9+$0x0];
	_ =	sdelay $0x2  }
0x1a1: {  	s29 =	simm.s32 $0x81E0  }
0x1a2: {  	s11 =	simm.s32 $0xE1E0;
	v1 =	vld [tilespmem:s29+$0x0]  }
0x1a3: {  	v2 =	vld [tilespmem:s11+$0x0];
	(v2sf) =	vpush v0, $0x0  }
0x1a4: {  	v0 =	vld [tilespmem:s9+$0xFFFFFFFF]  }
0x1a5: {  	v3 =	vld [tilespmem:s11+$0x10]  }
0x1a6: {  	s13 =	simm.s32 $0x4113;
	v5 =	vld [tilespmem:s29+$0x20]  }
0x1a7: {  	v7 =	vld [tilespmem:s13+$0x0]  }
0x1a8: {  	v8 =	vld [tilespmem:s11+$0x20]  }
0x1a9: {  	v9 =	vld [tilespmem:s13+$0xFFFFFFFF];
	(v2sf) =	vpush v0, $0x0  }
0x1aa: {  	v11 =	vld [tilespmem:s29+$0x30]  }
0x1ab: {  	v12 =	vld [tilespmem:s29+$0xFFFFFFC0]  }
0x1ac: {  	v14 =	vld [tilespmem:s11+$0xFFFFFFC0]  }
0x1ad: {  	v16 =	vld [tilespmem:s29+$0xFFFFFFD0]  }
0x1ae: {  	v17 =	vld [tilespmem:s11+$0xFFFFFFD0]  }
0x1af: {  	v19 =	vld [tilespmem:s29+$0xFFFFFFE0]  }
0x1b0: {  	s14 =	simm.s32 $0x8260;
	v20 =	vld [tilespmem:s11+$0xFFFFFFE0]  }
0x1b1: {  	s20 =	simm.s32 $0xE260;
	v44 =	vld [tilespmem:s14+$0x10]  }
0x1b2: {  	v47 =	vld [tilespmem:s20+$0x0];
	s12 =	spop (v2sf);
	(v2sf) =	vpush v7, $0x0  }
0x1b3: {  	v51 =	vld [tilespmem:s14+$0x20]  }
0x1b4: {  	v54 =	vld [tilespmem:s20+$0x20]  }
0x1b5: {  	v1 =	vmul.bf16 v2, v1;
	v2 =	vld [tilespmem:s29+$0xFFFFFFF0];
	s12 =	sshll.u32 s12, $0x8  }
0x1b6: {  	v0 =	vld [tilespmem:s29+$0x10];
	s12 =	sshra.s32 s12, $0x2  }
0x1b7: {  	v4 =	vld [tilespmem:s12+$0x0]  }
0x1b8: {  	v5 =	vmul.bf16 v8, v5;
	v8 =	vld [tilespmem:s20+$0x10];
	s31 =	spop (v2sf)  }
0x1b9: {  	v6 =	vld [tilespmem:s12+$0x10];
	s13 =	sshll.u32 s31, $0x8  }
0x1ba: {  	v10 =	vld [tilespmem:s12+$0x20];
	s13 =	sshra.s32 s13, $0x2  }
0x1bb: {  	v15 =	vld [tilespmem:s13+$0x0]  }
0x1bc: {  	v0 =	vmul.bf16 v3, v0;
	v7 =	vld [tilespmem:s11+$0x30];
	v1 =	vmul.bf16 v4, v1  }
0x1bd: {  	v46 =	vmul.bf16 v17, v16;
	(v2sf) =	vpush v9, $0x0;
	v18 =	vld [tilespmem:s13+$0x10];
	v4 =	vmul.bf16 v14, v12  }
0x1be: {  	v9 =	vld [tilespmem:s11+$0xFFFFFFF0];
	v0 =	vmul.bf16 v6, v0;
	v45 =	vunpack.i.u.bf16.f32 v1;
	v1 =	vunpack.i.l.bf16.f32 v1  }
0x1bf: {  	v59 =	vmul.bf16 v54, v51;
	v8 =	vmul.bf16 v8, v44;
	v21 =	vld [tilespmem:s13+$0x20];
	v1 =	vadd.f32 v1, v45  }
0x1c0: {  	v6 =	vld [tilespmem:s14+$0x0];
	v5 =	vmul.bf16 v10, v5;
	v48 =	vunpack.i.l.bf16.f32 v0;
	v4 =	vmul.bf16 v15, v4  }
0x1c1: {  	v13 =	vld [tilespmem:s12+$0x30];
	v10 =	vmul.bf16 v20, v19;
	v0 =	vunpack.i.u.bf16.f32 v0;
	v1 =	vadd.f32 v48, v1;
	s15 =	spop (v2sf)  }
0x1c2: {  	s21 =	simm.s32 $0x4115;
	v3 =	vld [tilespmem:s13+$0x30];
	v15 =	vmul.bf16 v18, v46;
	v49 =	vunpack.i.u.bf16.f32 v4;
	v4 =	vunpack.i.l.bf16.f32 v4;
	s12 =	sshll.u32 s15, $0x8  }
0x1c3: {  	v0 =	vadd.f32 v1, v0;
	v1 =	vmul.bf16 v7, v11;
	v7 =	vld [tilespmem:s21+$0x0];
	v4 =	vadd.f32 v4, v49;
	s12 =	sshra.s32 s12, $0x2  }
0x1c4: {  	v2 =	vmul.bf16 v9, v2;
	v10 =	vmul.bf16 v21, v10;
	v52 =	vunpack.i.l.bf16.f32 v15;
	v50 =	vld [tilespmem:s12+$0x0]  }
0x1c5: {  	v6 =	vmul.bf16 v47, v6;
	v11 =	vunpack.i.l.bf16.f32 v5;
	v53 =	vld [tilespmem:s12+$0x10];
	v4 =	vadd.f32 v52, v4  }
0x1c6: {  	v15 =	vunpack.i.u.bf16.f32 v15;
	v0 =	vadd.f32 v11, v0;
	v1 =	vmul.bf16 v13, v1  }
0x1c7: {  	v2 =	vmul.bf16 v3, v2;
	v5 =	vunpack.i.u.bf16.f32 v5;
	v11 =	vld [tilespmem:s21+$0xFFFFFFFF];
	v4 =	vadd.f32 v4, v15  }
0x1c8: {  	v55 =	vunpack.i.l.bf16.f32 v10;
	v56 =	vld [tilespmem:s12+$0x20];
	v0 =	vadd.f32 v0, v5;
	v9 =	vunpack.i.l.bf16.f32 v1  }
0x1c9: {  	v5 =	vld [tilespmem:s14+$0x30];
	(v2sf) =	vpush v7, $0x0;
	v4 =	vadd.f32 v55, v4;
	v6 =	vmul.bf16 v50, v6  }
0x1ca: {  	v7 =	vld [tilespmem:s20+$0x30];
	v0 =	vadd.f32 v9, v0;
	v9 =	vunpack.i.u.bf16.f32 v10;
	v8 =	vmul.bf16 v53, v8  }
0x1cb: {  	v10 =	vld [tilespmem:s14+$0xFFFFFFC0];
	v3 =	vadd.f32 v4, v9;
	v4 =	vunpack.i.u.bf16.f32 v6;
	v6 =	vunpack.i.l.bf16.f32 v6  }
0x1cc: {  	v57 =	vunpack.i.l.bf16.f32 v2;
	s23 =	spop (v2sf);
	(v2sf) =	vpush v11, $0x0;
	v11 =	vld [tilespmem:s20+$0xFFFFFFC0];
	v4 =	vadd.f32 v6, v4  }
0x1cd: {  	v60 =	vld [tilespmem:s14+$0xFFFFFFD0];
	v1 =	vunpack.i.u.bf16.f32 v1;
	s13 =	sshll.u32 s23, $0x8;
	v58 =	vunpack.i.l.bf16.f32 v8;
	v3 =	vadd.f32 v57, v3  }
0x1ce: {  	s25 =	sshra.s32 s13, $0x2;
	v0 =	vadd.f32 v0, v1;
	v1 =	vunpack.i.u.bf16.f32 v2;
	v9 =	vld [tilespmem:s12+$0x30];
	v2 =	vadd.f32 v58, v4  }
0x1cf: {  	v6 =	vld [tilespmem:s25+$0x0];
	v1 =	vadd.f32 v3, v1;
	v3 =	vunpack.i.u.bf16.f32 v8;
	v8 =	vmul.bf16 v56, v59  }
0x1d0: {  	(xrf2) =	vadd.scan.msk.f32 $0xffff, v0;
	v0 =	vadd.f32 v2, v3;
	v2 =	vld [tilespmem:s14+$0xFFFFFFE0]  }
0x1d1: {  	v5 =	vmul.bf16 v7, v5;
	(xrf2) =	vadd.scan.msk.f32 $0xffff, v1;
	v1 =	vunpack.i.l.bf16.f32 v8;
	v3 =	vmul.bf16 v11, v10;
	v10 =	vld [tilespmem:s20+$0xFFFFFFE0]  }
0x1d2: {  	v4 =	vld [tilespmem:s20+$0xFFFFFFD0];
	v0 =	vadd.f32 v1, v0  }
0x1d3: {  	v5 =	vmul.bf16 v9, v5;
	v7 =	vunpack.i.u.bf16.f32 v8  }
0x1d4: {  	v61 =	vld [tilespmem:s25+$0x10];
	v7 =	vadd.f32 v0, v7  }
0x1d5: {  	v11 =	vunpack.i.l.bf16.f32 v5;
	v1 =	vld [tilespmem:s25+$0x20]  }
0x1d6: {  	v10 =	vmul.bf16 v10, v2;
	v7 =	vadd.f32 v11, v7  }
0x1d7: {  	v8 =	vld [tilespmem:s20+$0xFFFFFFF0];
	v62 =	vunpack.i.u.bf16.f32 v5;
	v3 =	vmul.bf16 v6, v3;
	v4 =	vmul.bf16 v4, v60  }
0x1d8: {  	v6 =	vld [tilespmem:s14+$0xFFFFFFF0];
	v7 =	vadd.f32 v7, v62  }
0x1d9: {  	s13 =	simm.s32 $0xE2E0;
	v9 =	vld [tilespmem:s25+$0x30];
	v0 =	vunpack.i.u.bf16.f32 v3;
	v3 =	vunpack.i.l.bf16.f32 v3;
	v4 =	vmul.bf16 v61, v4  }
0x1da: {  	s12 =	simm.s32 $0x82E0;
	v5 =	vld [tilespmem:s13+$0x0];
	v3 =	vadd.f32 v3, v0;
	v1 =	vmul.bf16 v1, v10;
	v10, _, _ =	vpop (xrf2);
	(xrf2) =	vadd.scan.msk.f32 $0xffff, v7  }
0x1db: {  	v0 =	vld [tilespmem:s12+$0x10];
	s29 =	spop (v2sf);
	v11 =	vunpack.i.l.bf16.f32 v4  }
0x1dc: {  	v2 =	vld [tilespmem:s12+$0x0];
	s9 =	sshll.u32 s29, $0x8;
	v3 =	vadd.f32 v11, v3  }
0x1dd: {  	s11 =	simm.s32 $0x3C61;
	s20 =	sshra.s32 s9, $0x2;
	v63 =	vmul.bf16 v8, v6;
	v11 =	vunpack.i.u.bf16.f32 v4;
	v4 =	vld [tilespmem:s13+$0x10]  }
0x1de: {  	s31 =	spop (v2sf);
	v6 =	vld [tilespmem:s20+$0x0];
	v11 =	vadd.f32 v3, v11;
	[tilespmem:s11+$0x0] =	vst.msk vm0, v10;
	v8, _, _ =	vpop (xrf2)  }
0x1df: {  	s9 =	sshll.u32 s31, $0x8;
	v10 =	vunpack.i.l.bf16.f32 v1;
	v3 =	vld [tilespmem:s12+$0x20];
	[tilespmem:s11+$0xFFFFFFFF] =	vst.msk vm0, v8;
	v8 =	vunpack.i.u.bf16.f32 v1;
	v1 =	vmul.bf16 v9, v63  }
0x1e0: {  	s15 =	simm.s32 $0x4117;
	s14 =	simm.s32 $0x4;
	s9 =	sshra.s32 s9, $0x2;
	v7 =	vld [tilespmem:s20+$0x10];
	v9 =	vadd.f32 v10, v11  }
.LBB2_12:
0x1e1: {  	v10 =	vld [tilespmem:s15+$0x0];
	s14 =	sadd.s32 $0x2, s14;
	v2 =	vmul.bf16 v5, v2;
	v5 =	vunpack.i.u.bf16.f32 v1;
	v1 =	vunpack.i.l.bf16.f32 v1  }
0x1e2: {  	p1 =	slt.u32 s14, $0x7E;
	v11 =	vld [tilespmem:s13+$0x20];
	v8 =	vadd.f32 v9, v8  }
0x1e3: {  	v0 =	vmul.bf16 v4, v0;
	v9 =	vld [tilespmem:s15+$0xFFFFFFFF];
	v2 =	vmul.bf16 v6, v2  }
0x1e4: {  	s11 =	sadd.s32 $0x2, s11;
	v4 =	vld [tilespmem:s20+$0x20];
	v1 =	vadd.f32 v1, v8;
	v6, _, _ =	vpop (xrf2)  }
0x1e5: {  	v8 =	vunpack.i.u.bf16.f32 v2;
	v2 =	vunpack.i.l.bf16.f32 v2;
	v0 =	vmul.bf16 v7, v0;
	v7 =	vld [tilespmem:s12+$0x30];
	[tilespmem:s11+$0x0] =	vst.msk vm0, v6  }
0x1e6: {  	(v2sf) =	vpush v10, $0x0;
	v2 =	vadd.f32 v2, v8;
	v6 =	vld [tilespmem:s13+$0x30]  }
0x1e7: {  	v1 =	vadd.f32 v1, v5;
	v8 =	vld [tilespmem:s12+$0xFFFFFFC0];
	v10 =	vunpack.i.l.bf16.f32 v0;
	v3 =	vmul.bf16 v11, v3  }
0x1e8: {  	(v2sf) =	vpush v9, $0x0;
	v2 =	vadd.f32 v10, v2;
	v5 =	vld [tilespmem:s20+$0x30]  }
0x1e9: {  	v0 =	vunpack.i.u.bf16.f32 v0;
	v9 =	vld [tilespmem:s13+$0xFFFFFFC0];
	v3 =	vmul.bf16 v4, v3;
	(xrf2) =	vadd.scan.msk.f32 $0xffff, v1  }
0x1ea: {  	v1 =	vld [tilespmem:s9+$0x0];
	v0 =	vadd.f32 v2, v0  }
0x1eb: {  	v2 =	vld [tilespmem:s12+$0xFFFFFFD0];
	v4 =	vunpack.i.l.bf16.f32 v3;
	v6 =	vmul.bf16 v6, v7  }
0x1ec: {  	v7 =	vld [tilespmem:s13+$0xFFFFFFD0];
	v0 =	vadd.f32 v4, v0  }
0x1ed: {  	v3 =	vunpack.i.u.bf16.f32 v3;
	v4 =	vld [tilespmem:s9+$0x10];
	v5 =	vmul.bf16 v5, v6  }
0x1ee: {  	v6 =	vmul.bf16 v9, v8;
	v8 =	vld [tilespmem:s12+$0xFFFFFFE0];
	v0 =	vadd.f32 v0, v3  }
0x1ef: {  	v3 =	vld [tilespmem:s13+$0xFFFFFFE0];
	v9 =	vunpack.i.l.bf16.f32 v5  }
0x1f0: {  	v1 =	vmul.bf16 v1, v6;
	v6 =	vld [tilespmem:s9+$0x20];
	v0 =	vadd.f32 v9, v0  }
0x1f1: {  	v5 =	vunpack.i.u.bf16.f32 v5;
	v11 =	vmul.bf16 v7, v2;
	v7 =	vld [tilespmem:s12+$0xFFFFFFF0]  }
0x1f2: {  	v9 =	vunpack.i.u.bf16.f32 v1;
	v1 =	vunpack.i.l.bf16.f32 v1;
	v10 =	vld [tilespmem:s13+$0xFFFFFFF0];
	v5 =	vadd.f32 v0, v5  }
0x1f3: {  	s12 =	sadd.s32 $0x80, s12;
	v1 =	vadd.f32 v1, v9;
	v4 =	vmul.bf16 v4, v11;
	v9 =	vld [tilespmem:s9+$0x30];
	v2, _, _ =	vpop (xrf2)  }
0x1f4: {  	v0 =	vld [tilespmem:s12+$0x10];
	v3 =	vmul.bf16 v3, v8;
	(xrf2) =	vadd.scan.msk.f32 $0xffff, v5;
	[tilespmem:s11+$0xFFFFFFFF] =	vst.msk vm0, v2  }
0x1f5: {  	s13 =	sadd.s32 $0x80, s13;
	v2 =	vld [tilespmem:s12+$0x0];
	s9 =	spop (v2sf);
	v8 =	vunpack.i.u.bf16.f32 v4;
	v4 =	vunpack.i.l.bf16.f32 v4  }
.Ltmp9:
0x1f6: {  	v5 =	vld [tilespmem:s13+$0x0];
	s9 =	sshll.u32 s9, $0x8;
	v1 =	vadd.f32 v4, v1;
	v3 =	vmul.bf16 v6, v3;
	(pc) =	sbr.rel @p1 .LBB2_12-.Ltmp9, $4  }
0x1f7: {  	s20 =	sshra.s32 s9, $0x2;
	v4 =	vld [tilespmem:s13+$0x10];
	s9 =	spop (v2sf);
	v7 =	vmul.bf16 v10, v7  }
0x1f8: {  	s9 =	sshll.u32 s9, $0x8;
	v6 =	vld [tilespmem:s20+$0x0];
	v10 =	vadd.f32 v1, v8;
	v8 =	vunpack.i.u.bf16.f32 v3;
	v11 =	vunpack.i.l.bf16.f32 v3  }
0x1f9: {  	s9 =	sshra.s32 s9, $0x2;
	v3 =	vld [tilespmem:s12+$0x20];
	v1 =	vmul.bf16 v9, v7  }
0x1fa: {  	s15 =	sadd.s32 $0x2, s15;
	v7 =	vld [tilespmem:s20+$0x10];
	v9 =	vadd.f32 v11, v10  }
0x1fb: {  	v10 =	vld [tilespmem:s13+$0x20]  }
0x1fc: {  	v11 =	vld [tilespmem:s20+$0x20]  }
0x1fd: {  	v13 =	vld [tilespmem:s12+$0xFFFFFFC0]  }
0x1fe: {  	v14 =	vld [tilespmem:s13+$0xFFFFFFC0]  }
0x1ff: {  	v15 =	vld [tilespmem:s9+$0x0]  }
0x200: {  	v16 =	vld [tilespmem:s12+$0xFFFFFFD0]  }
0x201: {  	v2 =	vmul.bf16 v5, v2;
	v34 =	vld [tilespmem:s13+$0xFFFFFFD0]  }
0x202: {  	v12 =	vld [tilespmem:s12+$0x30]  }
0x203: {  	v35 =	vld [tilespmem:s9+$0x10];
	v2 =	vmul.bf16 v6, v2  }
0x204: {  	v37 =	vld [tilespmem:s12+$0xFFFFFFE0];
	v36 =	vmul.bf16 v14, v13  }
0x205: {  	v39 =	vld [tilespmem:s13+$0xFFFFFFE0];
	v52 =	vunpack.i.l.bf16.f32 v1;
	v0 =	vmul.bf16 v4, v0;
	v38 =	vunpack.i.u.bf16.f32 v2  }
0x206: {  	v17 =	vld [tilespmem:s13+$0x30];
	v2 =	vunpack.i.l.bf16.f32 v2;
	v5 =	vmul.bf16 v34, v16;
	v6 =	vmul.bf16 v15, v36  }
0x207: {  	v42 =	vld [tilespmem:s9+$0x20];
	v8 =	vadd.f32 v9, v8;
	v0 =	vmul.bf16 v7, v0;
	v2 =	vadd.f32 v2, v38  }
0x208: {  	v43 =	vld [tilespmem:s12+$0xFFFFFFF0];
	v4 =	vmul.bf16 v35, v5;
	v44 =	vunpack.i.u.bf16.f32 v6;
	v6 =	vunpack.i.l.bf16.f32 v6  }
0x209: {  	v45 =	vld [tilespmem:s13+$0xFFFFFFF0];
	v3 =	vmul.bf16 v10, v3;
	v41 =	vunpack.i.l.bf16.f32 v0;
	v5 =	vadd.f32 v6, v44  }
0x20a: {  	v40 =	vld [tilespmem:s20+$0x30];
	v7 =	vmul.bf16 v39, v37;
	v2 =	vadd.f32 v41, v2;
	v46 =	vunpack.i.l.bf16.f32 v4  }
0x20b: {  	v48 =	vld [tilespmem:s9+$0x30];
	v0 =	vunpack.i.u.bf16.f32 v0;
	v3 =	vmul.bf16 v11, v3;
	v5 =	vadd.f32 v46, v5  }
0x20c: {  	v7 =	vmul.bf16 v42, v7;
	v0 =	vadd.f32 v2, v0;
	v4 =	vunpack.i.u.bf16.f32 v4  }
0x20d: {  	v47 =	vmul.bf16 v17, v12;
	v49 =	vunpack.i.l.bf16.f32 v3;
	v4 =	vadd.f32 v5, v4  }
0x20e: {  	v50 =	vmul.bf16 v45, v43;
	v51 =	vunpack.i.l.bf16.f32 v7;
	v0 =	vadd.f32 v49, v0  }
0x20f: {  	v2 =	vmul.bf16 v40, v47;
	v3 =	vunpack.i.u.bf16.f32 v3;
	v4 =	vadd.f32 v51, v4  }
0x210: {  	v53 =	vunpack.i.u.bf16.f32 v7;
	v0 =	vadd.f32 v0, v3;
	v5 =	vmul.bf16 v48, v50  }
0x211: {  	v54 =	vadd.f32 v52, v8;
	v55 =	vunpack.i.l.bf16.f32 v2;
	v3 =	vadd.f32 v4, v53  }
0x212: {  	v56 =	vunpack.i.u.bf16.f32 v1;
	v0 =	vadd.f32 v55, v0;
	v57 =	vunpack.i.l.bf16.f32 v5  }
0x213: {  	v1 =	vadd.f32 v54, v56;
	v2 =	vunpack.i.u.bf16.f32 v2;
	v3 =	vadd.f32 v57, v3  }
0x214: {  	v58 =	vunpack.i.u.bf16.f32 v5;
	v0 =	vadd.f32 v0, v2  }
0x215: {  	(xrf2) =	vadd.scan.msk.f32 $0xffff, v1;
	v59 =	vadd.f32 v3, v58  }
0x216: {  	(xrf2) =	vadd.scan.msk.f32 $0xffff, v0  }
0x217: {  	(xrf2) =	vadd.scan.msk.f32 $0xffff, v59;
	_ =	sdelay $0x6  }
0x218: {  	s25 =	sadd.s32 $0x2, s11;
	v60, _, _ =	vpop (xrf2)  }
.Ltmp10:
0x219: {  	[tilespmem:s25+$0x0] =	vst.msk vm0, v60;
	v61, _, _ =	vpop (xrf2);
	(pc) =	sbr.rel .LBB2_14-.Ltmp10, $4  }
0x21a: {  	s9 =	sadd.s32 $0x2, s25;
	[tilespmem:s25+$0xFFFFFFFF] =	vst.msk vm0, v61;
	v62, _, _ =	vpop (xrf2)  }
0x21b: {  	s10 =	sshll.u32 s10, $0x4;
	[tilespmem:s9+$0x0] =	vst.msk vm0, v62;
	v63, _, _ =	vpop (xrf2)  }
0x21c: {  	s31 =	simm.s32 $0x3C60;
	s29 =	sadd.s32 s3, s10;
	[tilespmem:s9+$0xFFFFFFFF] =	vst.msk vm0, v63  }
0x21d: {  	[hbm4b:s29+s5] =	stream.linear.scatter [tilespmem:s31], [sflag:$0xC], $0x80, $0x38;
	[tilespmem:$0x101A0] =	vst v63  }
.LBB2_16:
0x21e: {  	_ =	sfence.sel $0x180000  }
0x21f: {  	[bflag:$0x0] =	sbarrier.arrive $0xFFFF  }
0x220: {  	_ =	strace $0x90000047  }
0x221: {  	s0 =	stileid.u32;
	[bflag:$0x2] =	sbarrier.arrive $0xFFFF  }
0x222: {  	p0 =	sne.s32 s0, $0x0;
	s0 =	rddreg [dreg:$0x3]  }
0x223: {  	s0 =	sadd.s32 @!p0 $0x100000, s0  }
0x224: {  	[sflag:s0] =	ssyncadd.tile.s32 @!p0 $0x1;
	_ =	shalt  }
.Lfunc_end2:
_tile_overlayer_lowered:
.L_overlay_start_2:
0x225: {  	(tag) =	ssettag $0x2  }
0x226: {  	s0 =	rddreg [dreg:$0x0];
	s2 =	stileid.u32  }
0x227: {  	s1 =	rddreg [dreg:$0x1];
	p0 =	sne.s32 s2, $0x0  }
0x228: {  	s3 =	rddreg [dreg:$0x2];
	[bflag:$0x3] =	sbarrier.arrive $0xFFFF;
	s2 =	simm.s32 @!p0 $0x1C0D  }
0x229: {  	[timem:s3], [sflag:s2] =	dma.local @!p0 [hbm:s0], s1  }
0x22a: {  	s0 =	simm.s32 @!p0 $0xD  }
0x22b: {  	_ =	swait.ge @!p0 [sflag:s0], s1  }
0x22c: {  	s1 =	ssub.s32 @!p0 $0x0, s1;
	[sflag:s0] =	ssyncset.done @!p0 $0x0  }
0x22d: {  	[sflag:s0] =	ssyncadd.s32 @!p0 s1  }
0x22e: {  	[bflag:$0x3] =	sbarrier.arrive $0xFFFF  }
0x22f: {  	_ =	shalt  }

</sc_bundles>
